<compile_context>
chip_gen: v7x
topology: tpu7x:2x2x1
jax: 0.10.2.dev20260603
libtpu: 0.0.44.dev20260713+nightly
codegen_flags: <defaults>
</compile_context>

<pallas_src>
import functools

import jax
import jax.numpy as jnp
from jax import lax
from jax.experimental import pallas as pl
from jax.experimental.pallas import tpu as pltpu
from jax.experimental.pallas import tpu_sc as plsc

N, C, V = 320000, 128, 10000
B = 1600
NB = N // B
BW = B + 8
FASTW = 136
ACC_ROWS = V + BW + 8

CH = 128
SCH = 256
NCHUNK = N // SCH


def _seg_body(x_ref, ix_ref, ixp_ref, wfg_ref, bfg_ref, wht_ref, bh_ref,
              tri_ref, y2_ref, seg_ref, acc_ref, s_smem):
    i = pl.program_id(0)

    @pl.when(i == 0)
    def _init():
        s_smem[0] = 0
        acc_ref[...] = jnp.zeros_like(acc_ref)

    t = jax.lax.dot_general(x_ref[...], wfg_ref[...],
                            (((1,), (0,)), ((), ())),
                            preferred_element_type=jnp.float32)
    t = t + bfg_ref[...]
    fx = t[:, :C]
    e = jnp.exp(t[:, C:])
    contrib = jnp.concatenate([fx * e, e], axis=1)

    ixr = ix_ref[0]
    ixpr = ixp_ref[0]
    flags = (ixr != ixpr).astype(jnp.float32)

    csum = jax.lax.dot_general(flags, tri_ref[...], (((1,), (0,)), ((), ())),
                               preferred_element_type=jnp.float32)
    total = jnp.sum(flags).astype(jnp.int32)

    s_base = s_smem[0]
    seg_row = s_base + csum.astype(jnp.int32)
    seg_ref[0] = seg_row
    s_smem[0] = s_base + total

    s_al = (s_base // 8) * 8
    shift = (s_base - s_al).astype(jnp.float32)
    rel = (csum + shift).astype(jnp.int32)

    onehot = (lax.broadcasted_iota(jnp.int32, (FASTW, B), 0) ==
              jnp.broadcast_to(rel, (FASTW, B))).astype(jnp.float32)
    partial = jax.lax.dot_general(onehot, contrib,
                                  (((1,), (0,)), ((), ())),
                                  preferred_element_type=jnp.float32)
    acc_ref[pl.ds(s_al, FASTW), :] = (
        acc_ref[pl.ds(s_al, FASTW), :] + partial)

    @pl.when(total >= FASTW - 8)
    def _residual():
        oh2 = ((lax.broadcasted_iota(jnp.int32, (BW, B), 0) ==
                jnp.broadcast_to(rel, (BW, B))) &
               jnp.broadcast_to(rel >= FASTW, (BW, B))).astype(jnp.float32)
        p2 = jax.lax.dot_general(oh2, contrib, (((1,), (0,)), ((), ())),
                                 preferred_element_type=jnp.float32)
        acc_ref[pl.ds(s_al, BW), :] = acc_ref[pl.ds(s_al, BW), :] + p2

    @pl.when(i == NB - 1)
    def _finalize():
        num = acc_ref[:V, :C]
        den = acc_ref[:V, C:]
        y = num / jnp.where(den > 0, den, 1.0)
        y2 = jax.lax.dot_general(y, wht_ref[...], (((1,), (0,)), ((), ())),
                                 preferred_element_type=jnp.float32)
        y2_ref[...] = y2 + bh_ref[...]


def _seg_call(x, ix3, ixp3, Wfg, bfg, WhT, bh2, tri):
    return pl.pallas_call(
        _seg_body,
        grid=(NB,),
        in_specs=[
            pl.BlockSpec((B, C), lambda i: (i, 0)),
            pl.BlockSpec((1, 1, B), lambda i: (i, 0, 0)),
            pl.BlockSpec((1, 1, B), lambda i: (i, 0, 0)),
            pl.BlockSpec((C, 2 * C), lambda i: (0, 0)),
            pl.BlockSpec((1, 2 * C), lambda i: (0, 0)),
            pl.BlockSpec((C, C), lambda i: (0, 0)),
            pl.BlockSpec((1, C), lambda i: (0, 0)),
            pl.BlockSpec((B, B), lambda i: (0, 0)),
        ],
        out_specs=[
            pl.BlockSpec((V, C), lambda i: (0, 0)),
            pl.BlockSpec((1, 1, B), lambda i: (i, 0, 0)),
        ],
        out_shape=[
            jax.ShapeDtypeStruct((V, C), jnp.float32),
            jax.ShapeDtypeStruct((NB, 1, B), jnp.int32),
        ],
        scratch_shapes=[
            pltpu.VMEM((ACC_ROWS, 2 * C), jnp.float32),
            pltpu.SMEM((1,), jnp.int32),
        ],
        compiler_params=pltpu.CompilerParams(
            dimension_semantics=("arbitrary",)),
    )(x, ix3, ixp3, Wfg, bfg, WhT, bh2, tri)


_NC, _NS = 2, 16
_NW = _NC * _NS
_TRIPS = (NCHUNK + _NW - 1) // _NW


@functools.cache
def _sc_gather_kernel():
    mesh = plsc.VectorSubcoreMesh(
        core_axis_name="c", subcore_axis_name="s", num_cores=_NC,
        num_subcores=_NS)

    @functools.partial(
        pl.kernel,
        mesh=mesh,
        out_type=jax.ShapeDtypeStruct((N, C), jnp.float32),
        scratch_types=[
            pltpu.VMEM((SCH,), jnp.int32),
            pltpu.VMEM((SCH,), jnp.int32),
            pltpu.VMEM((SCH, C), jnp.float32),
            pltpu.VMEM((SCH, C), jnp.float32),
            pltpu.SemaphoreType.DMA,
            pltpu.SemaphoreType.DMA,
            pltpu.SemaphoreType.DMA,
            pltpu.SemaphoreType.DMA,
        ],
    )
    def _sc_gather(y_hbm, seg_hbm, out_hbm, idx0, idx1, rows0, rows1,
                   g0, g1, s0, s1):
        wid = lax.axis_index("s") * _NC + lax.axis_index("c")
        wbase = wid * _TRIPS

        def cbase(j):
            return jnp.minimum(wbase + j, NCHUNK - 1) * SCH

        def load_gather(j, idx_v, rows_v, gsem):
            pltpu.sync_copy(seg_hbm.at[pl.ds(cbase(j), SCH)], idx_v)
            pltpu.async_copy(y_hbm.at[idx_v.at[pl.ds(0, CH)]],
                             rows_v.at[pl.ds(0, CH)], gsem)
            pltpu.async_copy(y_hbm.at[idx_v.at[pl.ds(CH, CH)]],
                             rows_v.at[pl.ds(CH, CH)], gsem)

        def wait_gather(idx_v, rows_v, gsem):
            pltpu.make_async_copy(y_hbm.at[idx_v.at[pl.ds(0, CH)]],
                                  rows_v.at[pl.ds(0, CH)], gsem).wait()
            pltpu.make_async_copy(y_hbm.at[idx_v.at[pl.ds(CH, CH)]],
                                  rows_v.at[pl.ds(CH, CH)], gsem).wait()

        def scatter(j, rows_v, ssem):
            pltpu.async_copy(rows_v, out_hbm.at[pl.ds(cbase(j), SCH)], ssem)

        def wait_scatter(j, rows_v, ssem):
            pltpu.make_async_copy(
                rows_v, out_hbm.at[pl.ds(cbase(j), SCH)], ssem).wait()

        load_gather(0, idx0, rows0, g0)
        load_gather(1, idx1, rows1, g1)
        wait_gather(idx0, rows0, g0)
        scatter(0, rows0, s0)

        def step(k, carry):
            ja = 2 * k + 2
            jb = 2 * k + 3
            wait_scatter(ja - 2, rows0, s0)
            load_gather(ja, idx0, rows0, g0)
            wait_gather(idx1, rows1, g1)
            scatter(jb - 2, rows1, s1)
            wait_scatter(jb - 2, rows1, s1)
            load_gather(jb, idx1, rows1, g1)
            wait_gather(idx0, rows0, g0)
            scatter(ja, rows0, s0)
            return carry

        lax.fori_loop(0, (_TRIPS - 2) // 2, step, 0)

        jl = _TRIPS - 1
        wait_gather(idx1, rows1, g1)
        scatter(jl, rows1, s1)
        wait_scatter(jl - 1, rows0, s0)
        wait_scatter(jl, rows1, s1)

    return _sc_gather


def kernel(x, ix, Wf, bf, Wg, bg, Wh, bh):
    ix = ix.astype(jnp.int32)
    ixp = jnp.concatenate([ix[:1], ix[:-1]])
    Wfg = jnp.concatenate([Wf.T, Wg.T], axis=1)
    bfg = jnp.concatenate([bf, bg]).reshape(1, 2 * C)
    ix3 = ix.reshape(NB, 1, B)
    ixp3 = ixp.reshape(NB, 1, B)
    io = jnp.arange(B, dtype=jnp.int32)
    tri = (io[:, None] <= io[None, :]).astype(jnp.float32)
    y2, seg3 = _seg_call(x, ix3, ixp3, Wfg, bfg, Wh.T, bh.reshape(1, C), tri)
    seg = seg3.reshape(N)
    return _sc_gather_kernel()(y2, seg)

# --- scband reference (transcript-rebuilt; emitter-appended) ---
"""Pipeline reference for scband-soft-agg-onnx-ori-20134806683722 (READ-ONLY COPY).

The authoritative reference and input builder live on the scoring server;
editing this copy changes nothing except your own understanding.
"""

import jax, jax.numpy as jnp
import numpy as np

N, C, V = 320000, 128, 10000

def setup_inputs(seed: int = 0) -> dict:
    key = jax.random.key(seed)
    ks = jax.random.split(key, 8)
    x = jax.random.normal(ks[0], (N, C), dtype=jnp.float32)
    ix = jnp.sort(jax.random.randint(ks[1], (N,), 0, V, dtype=jnp.int64))
    s = 0.05
    Wf = jax.random.normal(ks[2], (C, C), dtype=jnp.float32) * s
    bf = jax.random.normal(ks[3], (C,), dtype=jnp.float32) * s
    Wg = jax.random.normal(ks[4], (C, C), dtype=jnp.float32) * s
    bg = jax.random.normal(ks[5], (C,), dtype=jnp.float32) * s
    Wh = jax.random.normal(ks[6], (C, C), dtype=jnp.float32) * s
    bh = jax.random.normal(ks[7], (C,), dtype=jnp.float32) * s
    return {"x": x, "ix": ix, "Wf": Wf, "bf": bf, "Wg": Wg, "bg": bg, "Wh": Wh, "bh": bh}

def reference(x, ix, Wf, bf, Wg, bg, Wh, bh):
    # unique groups and inverse map (torch.unique(return_inverse=True))
    unique_ix, idx_map = jnp.unique(ix, return_inverse=True, size=V, fill_value=0)
    idx_map = idx_map.reshape(-1)
    G = int(unique_ix.shape[0])
    # f, g linear layers
    fx = x @ Wf.T + bf
    gx = x @ Wg.T + bg
    exp_gx = jnp.exp(gx)
    # denom = scatter-add of exp_gx per group
    denom = jax.ops.segment_sum(exp_gx, idx_map, num_segments=G)
    # weighted scatter-add (softmax-style aggregation)
    y = jax.ops.segment_sum(fx * (exp_gx / denom[idx_map]), idx_map, num_segments=G)
    # h linear layer
    y = y @ Wh.T + bh
    # expand=True: gather back to per-row outputs
    return y[idx_map]

if __name__ == "__main__":
    import jax
    _d = setup_inputs()
    print(jax.jit(kernel)(*tuple(_d.values())))

</pallas_src>

<mosaic_0001>
#map = affine_map<(d0, d1) -> (0, 0)>
#map1 = affine_map<(d0, d1) -> (0)>
module attributes {stable_mosaic.version = 14 : i64} {
  func.func @_sc_gather(%arg0: i32, %arg1: i32, %arg2: memref<10000x128xf32, #tpu.memory_space<hbm>>, %arg3: memref<320000xi32, #tpu.memory_space<hbm>>, %arg4: memref<320000x128xf32, #tpu.memory_space<hbm>>, %arg5: memref<256xi32, #tpu.memory_space<vmem>>, %arg6: memref<256xi32, #tpu.memory_space<vmem>>, %arg7: memref<256x128xf32, #tpu.memory_space<vmem>>, %arg8: memref<256x128xf32, #tpu.memory_space<vmem>>, %arg9: memref<!tpu.dma_semaphore, #tpu.memory_space<semaphore_mem>>, %arg10: memref<!tpu.dma_semaphore, #tpu.memory_space<semaphore_mem>>, %arg11: memref<!tpu.dma_semaphore, #tpu.memory_space<semaphore_mem>>, %arg12: memref<!tpu.dma_semaphore, #tpu.memory_space<semaphore_mem>>) attributes {dimension_semantics = [#tpu.dimension_semantics<core_parallel>, #tpu.dimension_semantics<subcore_parallel>], iteration_bounds = array<i64: 2, 16>, scalar_prefetch = 0 : i64, scratch_operands = 8 : i64, tpu.core_type = #tpu.core_type<sc_vector_subcore>, window_params = [{transform_indices = #map}, {transform_indices = #map1}, {transform_indices = #map}]} {
    %mul3A = arith.constant 2 : i32
    %mul3A_0 = arith.muli %arg1, %mul3A : i32
    %add3A = arith.addi %mul3A_0, %arg0 : i32
    %mul3A_1 = arith.constant 40 : i32
    %mul3A_2 = arith.muli %add3A, %mul3A_1 : i32
    %add3A_3 = arith.constant 0 : i32
    %add3A_4 = arith.addi %mul3A_2, %add3A_3 : i32
    %min3A = arith.constant 1249 : i32
    %min3A_5 = arith.minsi %add3A_4, %min3A : i32
    %mul3A_6 = arith.constant 256 : i32
    %mul3A_7 = arith.muli %min3A_5, %mul3A_6 : i32
    "tpu.region"() ({
      %run_scoped3A = tpu.sem_alloc : memref<!tpu.dma_semaphore, #tpu.memory_space<semaphore_mem>>
      %dma_start3A_121 = tpu.memref_slice %arg3[%mul3A_7] : memref<320000xi32, #tpu.memory_space<hbm>> -> memref<256xi32, #tpu.memory_space<hbm>>
      %dma_start3A_122 = tpu.memref_slice %arg3[%mul3A_7] : memref<320000xi32, #tpu.memory_space<hbm>> -> memref<256xi32, #tpu.memory_space<hbm>>
      tpu.enqueue_dma source(%dma_start3A_122 : memref<256xi32, #tpu.memory_space<hbm>>) target(%arg5 : memref<256xi32, #tpu.memory_space<vmem>>) target_semaphore(%run_scoped3A : memref<!tpu.dma_semaphore, #tpu.memory_space<semaphore_mem>>)
      %dma_wait3A_123 = tpu.memref_slice %arg3[%mul3A_7] : memref<320000xi32, #tpu.memory_space<hbm>> -> memref<256xi32, #tpu.memory_space<hbm>>
      %dma_wait3A_124 = tpu.memref_slice %arg3[%mul3A_7] : memref<320000xi32, #tpu.memory_space<hbm>> -> memref<256xi32, #tpu.memory_space<hbm>>
      tpu.wait_dma2 semaphore(%run_scoped3A : memref<!tpu.dma_semaphore, #tpu.memory_space<semaphore_mem>>) src(%dma_wait3A_124 : memref<256xi32, #tpu.memory_space<hbm>>) dst(%arg5 : memref<256xi32, #tpu.memory_space<vmem>>)
      tpu.yield
    }) : () -> ()
    %dma_start3A = arith.constant 0 : i32
    %dma_start3A_8 = arith.constant 0 : i32
    %dma_start3A_9 = tpu.memref_slice %arg7[%dma_start3A, %dma_start3A_8] : memref<256x128xf32, #tpu.memory_space<vmem>> -> memref<128x128xf32, #tpu.memory_space<vmem>>
    %dma_start3A_10 = arith.constant 0 : i32
    %dma_start3A_11 = tpu.memref_slice %arg5[%dma_start3A_10] : memref<256xi32, #tpu.memory_space<vmem>> -> memref<128xi32, #tpu.memory_space<vmem>>
    %dma_start3A_12 = arith.constant 0 : i32
    %dma_start3A_13 = arith.constant 0 : i32
    %dma_start3A_14 = tpu.memref_slice %arg2[%dma_start3A_12, %dma_start3A_13] : memref<10000x128xf32, #tpu.memory_space<hbm>> -> memref<10000x128xf32, #tpu.memory_space<hbm>>
    tpu.enqueue_indirect_dma source(%dma_start3A_14 : memref<10000x128xf32, #tpu.memory_space<hbm>>) target(%dma_start3A_9 : memref<128x128xf32, #tpu.memory_space<vmem>>) offsets(%dma_start3A_11 : memref<128xi32, #tpu.memory_space<vmem>>) semaphore(%arg9 : memref<!tpu.dma_semaphore, #tpu.memory_space<semaphore_mem>>)
    %dma_start3A_15 = arith.constant 128 : i32
    %dma_start3A_16 = arith.constant 0 : i32
    %dma_start3A_17 = tpu.memref_slice %arg7[%dma_start3A_15, %dma_start3A_16] : memref<256x128xf32, #tpu.memory_space<vmem>> -> memref<128x128xf32, #tpu.memory_space<vmem>>
    %dma_start3A_18 = arith.constant 128 : i32
    %dma_start3A_19 = tpu.memref_slice %arg5[%dma_start3A_18] : memref<256xi32, #tpu.memory_space<vmem>> -> memref<128xi32, #tpu.memory_space<vmem>>
    %dma_start3A_20 = arith.constant 0 : i32
    %dma_start3A_21 = arith.constant 0 : i32
    %dma_start3A_22 = tpu.memref_slice %arg2[%dma_start3A_20, %dma_start3A_21] : memref<10000x128xf32, #tpu.memory_space<hbm>> -> memref<10000x128xf32, #tpu.memory_space<hbm>>
    tpu.enqueue_indirect_dma source(%dma_start3A_22 : memref<10000x128xf32, #tpu.memory_space<hbm>>) target(%dma_start3A_17 : memref<128x128xf32, #tpu.memory_space<vmem>>) offsets(%dma_start3A_19 : memref<128xi32, #tpu.memory_space<vmem>>) semaphore(%arg9 : memref<!tpu.dma_semaphore, #tpu.memory_space<semaphore_mem>>)
    %add3A_23 = arith.constant 1 : i32
    %add3A_24 = arith.addi %mul3A_2, %add3A_23 : i32
    %min3A_25 = arith.constant 1249 : i32
    %min3A_26 = arith.minsi %add3A_24, %min3A_25 : i32
    %mul3A_27 = arith.constant 256 : i32
    %mul3A_28 = arith.muli %min3A_26, %mul3A_27 : i32
    "tpu.region"() ({
      %run_scoped3A = tpu.sem_alloc : memref<!tpu.dma_semaphore, #tpu.memory_space<semaphore_mem>>
      %dma_start3A_121 = tpu.memref_slice %arg3[%mul3A_28] : memref<320000xi32, #tpu.memory_space<hbm>> -> memref<256xi32, #tpu.memory_space<hbm>>
      %dma_start3A_122 = tpu.memref_slice %arg3[%mul3A_28] : memref<320000xi32, #tpu.memory_space<hbm>> -> memref<256xi32, #tpu.memory_space<hbm>>
      tpu.enqueue_dma source(%dma_start3A_122 : memref<256xi32, #tpu.memory_space<hbm>>) target(%arg6 : memref<256xi32, #tpu.memory_space<vmem>>) target_semaphore(%run_scoped3A : memref<!tpu.dma_semaphore, #tpu.memory_space<semaphore_mem>>)
      %dma_wait3A_123 = tpu.memref_slice %arg3[%mul3A_28] : memref<320000xi32, #tpu.memory_space<hbm>> -> memref<256xi32, #tpu.memory_space<hbm>>
      %dma_wait3A_124 = tpu.memref_slice %arg3[%mul3A_28] : memref<320000xi32, #tpu.memory_space<hbm>> -> memref<256xi32, #tpu.memory_space<hbm>>
      tpu.wait_dma2 semaphore(%run_scoped3A : memref<!tpu.dma_semaphore, #tpu.memory_space<semaphore_mem>>) src(%dma_wait3A_124 : memref<256xi32, #tpu.memory_space<hbm>>) dst(%arg6 : memref<256xi32, #tpu.memory_space<vmem>>)
      tpu.yield
    }) : () -> ()
    %dma_start3A_29 = arith.constant 0 : i32
    %dma_start3A_30 = arith.constant 0 : i32
    %dma_start3A_31 = tpu.memref_slice %arg8[%dma_start3A_29, %dma_start3A_30] : memref<256x128xf32, #tpu.memory_space<vmem>> -> memref<128x128xf32, #tpu.memory_space<vmem>>
    %dma_start3A_32 = arith.constant 0 : i32
    %dma_start3A_33 = tpu.memref_slice %arg6[%dma_start3A_32] : memref<256xi32, #tpu.memory_space<vmem>> -> memref<128xi32, #tpu.memory_space<vmem>>
    %dma_start3A_34 = arith.constant 0 : i32
    %dma_start3A_35 = arith.constant 0 : i32
    %dma_start3A_36 = tpu.memref_slice %arg2[%dma_start3A_34, %dma_start3A_35] : memref<10000x128xf32, #tpu.memory_space<hbm>> -> memref<10000x128xf32, #tpu.memory_space<hbm>>
    tpu.enqueue_indirect_dma source(%dma_start3A_36 : memref<10000x128xf32, #tpu.memory_space<hbm>>) target(%dma_start3A_31 : memref<128x128xf32, #tpu.memory_space<vmem>>) offsets(%dma_start3A_33 : memref<128xi32, #tpu.memory_space<vmem>>) semaphore(%arg10 : memref<!tpu.dma_semaphore, #tpu.memory_space<semaphore_mem>>)
    %dma_start3A_37 = arith.constant 128 : i32
    %dma_start3A_38 = arith.constant 0 : i32
    %dma_start3A_39 = tpu.memref_slice %arg8[%dma_start3A_37, %dma_start3A_38] : memref<256x128xf32, #tpu.memory_space<vmem>> -> memref<128x128xf32, #tpu.memory_space<vmem>>
    %dma_start3A_40 = arith.constant 128 : i32
    %dma_start3A_41 = tpu.memref_slice %arg6[%dma_start3A_40] : memref<256xi32, #tpu.memory_space<vmem>> -> memref<128xi32, #tpu.memory_space<vmem>>
    %dma_start3A_42 = arith.constant 0 : i32
    %dma_start3A_43 = arith.constant 0 : i32
    %dma_start3A_44 = tpu.memref_slice %arg2[%dma_start3A_42, %dma_start3A_43] : memref<10000x128xf32, #tpu.memory_space<hbm>> -> memref<10000x128xf32, #tpu.memory_space<hbm>>
    tpu.enqueue_indirect_dma source(%dma_start3A_44 : memref<10000x128xf32, #tpu.memory_space<hbm>>) target(%dma_start3A_39 : memref<128x128xf32, #tpu.memory_space<vmem>>) offsets(%dma_start3A_41 : memref<128xi32, #tpu.memory_space<vmem>>) semaphore(%arg10 : memref<!tpu.dma_semaphore, #tpu.memory_space<semaphore_mem>>)
    %dma_wait3A = arith.constant 0 : i32
    %dma_wait3A_45 = arith.constant 0 : i32
    %dma_wait3A_46 = tpu.memref_slice %arg7[%dma_wait3A, %dma_wait3A_45] : memref<256x128xf32, #tpu.memory_space<vmem>> -> memref<128x128xf32, #tpu.memory_space<vmem>>
    %dma_wait3A_47 = arith.constant 0 : i32
    %dma_wait3A_48 = tpu.memref_slice %arg5[%dma_wait3A_47] : memref<256xi32, #tpu.memory_space<vmem>> -> memref<128xi32, #tpu.memory_space<vmem>>
    %dma_wait3A_49 = arith.constant 0 : i32
    %dma_wait3A_50 = arith.constant 0 : i32
    %dma_wait3A_51 = tpu.memref_slice %arg2[%dma_wait3A_49, %dma_wait3A_50] : memref<10000x128xf32, #tpu.memory_space<hbm>> -> memref<10000x128xf32, #tpu.memory_space<hbm>>
    tpu.wait_indirect_dma semaphore(%arg9 : memref<!tpu.dma_semaphore, #tpu.memory_space<semaphore_mem>>) src(%dma_wait3A_51 : memref<10000x128xf32, #tpu.memory_space<hbm>>) dst(%dma_wait3A_46 : memref<128x128xf32, #tpu.memory_space<vmem>>)
    %dma_wait3A_52 = arith.constant 128 : i32
    %dma_wait3A_53 = arith.constant 0 : i32
    %dma_wait3A_54 = tpu.memref_slice %arg7[%dma_wait3A_52, %dma_wait3A_53] : memref<256x128xf32, #tpu.memory_space<vmem>> -> memref<128x128xf32, #tpu.memory_space<vmem>>
    %dma_wait3A_55 = arith.constant 128 : i32
    %dma_wait3A_56 = tpu.memref_slice %arg5[%dma_wait3A_55] : memref<256xi32, #tpu.memory_space<vmem>> -> memref<128xi32, #tpu.memory_space<vmem>>
    %dma_wait3A_57 = arith.constant 0 : i32
    %dma_wait3A_58 = arith.constant 0 : i32
    %dma_wait3A_59 = tpu.memref_slice %arg2[%dma_wait3A_57, %dma_wait3A_58] : memref<10000x128xf32, #tpu.memory_space<hbm>> -> memref<10000x128xf32, #tpu.memory_space<hbm>>
    tpu.wait_indirect_dma semaphore(%arg9 : memref<!tpu.dma_semaphore, #tpu.memory_space<semaphore_mem>>) src(%dma_wait3A_59 : memref<10000x128xf32, #tpu.memory_space<hbm>>) dst(%dma_wait3A_54 : memref<128x128xf32, #tpu.memory_space<vmem>>)
    %add3A_60 = arith.constant 0 : i32
    %add3A_61 = arith.addi %mul3A_2, %add3A_60 : i32
    %min3A_62 = arith.constant 1249 : i32
    %min3A_63 = arith.minsi %add3A_61, %min3A_62 : i32
    %mul3A_64 = arith.constant 256 : i32
    %mul3A_65 = arith.muli %min3A_63, %mul3A_64 : i32
    %dma_start3A_66 = arith.constant 0 : i32
    %dma_start3A_67 = tpu.memref_slice %arg4[%mul3A_65, %dma_start3A_66] : memref<320000x128xf32, #tpu.memory_space<hbm>> -> memref<256x128xf32, #tpu.memory_space<hbm>>
    %dma_start3A_68 = arith.constant 0 : i32
    %dma_start3A_69 = tpu.memref_slice %arg4[%mul3A_65, %dma_start3A_68] : memref<320000x128xf32, #tpu.memory_space<hbm>> -> memref<256x128xf32, #tpu.memory_space<hbm>>
    tpu.enqueue_dma source(%arg7 : memref<256x128xf32, #tpu.memory_space<vmem>>) target(%dma_start3A_69 : memref<256x128xf32, #tpu.memory_space<hbm>>) target_semaphore(%arg11 : memref<!tpu.dma_semaphore, #tpu.memory_space<semaphore_mem>>)
    %scan3A = arith.constant 0 : i32
    %scan3A_70 = arith.constant 0 : i32
    %scan3A_71 = arith.constant 19 : i32
    %scan3A_72 = arith.addi %scan3A_70, %scan3A_71 : i32
    %scan3A_73 = arith.constant 1 : i32
    scf.for %scan3A_121 = %scan3A_70 to %scan3A_72 step %scan3A_73  : i32 {
      %mul3A_122 = arith.constant 2 : i32
      %mul3A_123 = arith.muli %mul3A_122, %scan3A_121 : i32
      %add3A_124 = arith.constant 2 : i32
      %add3A_125 = arith.addi %mul3A_123, %add3A_124 : i32
      %mul3A_126 = arith.constant 2 : i32
      %mul3A_127 = arith.muli %mul3A_126, %scan3A_121 : i32
      %add3A_128 = arith.constant 3 : i32
      %add3A_129 = arith.addi %mul3A_127, %add3A_128 : i32
      %sub3A = arith.constant 2 : i32
      %sub3A_130 = arith.subi %add3A_125, %sub3A : i32
      %add3A_131 = arith.addi %mul3A_2, %sub3A_130 : i32
      %min3A_132 = arith.constant 1249 : i32
      %min3A_133 = arith.minsi %add3A_131, %min3A_132 : i32
      %mul3A_134 = arith.constant 256 : i32
      %mul3A_135 = arith.muli %min3A_133, %mul3A_134 : i32
      %dma_wait3A_136 = arith.constant 0 : i32
      %dma_wait3A_137 = tpu.memref_slice %arg4[%mul3A_135, %dma_wait3A_136] : memref<320000x128xf32, #tpu.memory_space<hbm>> -> memref<256x128xf32, #tpu.memory_space<hbm>>
      %dma_wait3A_138 = arith.constant 0 : i32
      %dma_wait3A_139 = tpu.memref_slice %arg4[%mul3A_135, %dma_wait3A_138] : memref<320000x128xf32, #tpu.memory_space<hbm>> -> memref<256x128xf32, #tpu.memory_space<hbm>>
      tpu.wait_dma2 semaphore(%arg11 : memref<!tpu.dma_semaphore, #tpu.memory_space<semaphore_mem>>) src(%arg7 : memref<256x128xf32, #tpu.memory_space<vmem>>) dst(%dma_wait3A_139 : memref<256x128xf32, #tpu.memory_space<hbm>>)
      %add3A_140 = arith.addi %mul3A_2, %add3A_125 : i32
      %min3A_141 = arith.constant 1249 : i32
      %min3A_142 = arith.minsi %add3A_140, %min3A_141 : i32
      %mul3A_143 = arith.constant 256 : i32
      %mul3A_144 = arith.muli %min3A_142, %mul3A_143 : i32
      "tpu.region"() ({
        %run_scoped3A = tpu.sem_alloc : memref<!tpu.dma_semaphore, #tpu.memory_space<semaphore_mem>>
        %dma_start3A_245 = tpu.memref_slice %arg3[%mul3A_144] : memref<320000xi32, #tpu.memory_space<hbm>> -> memref<256xi32, #tpu.memory_space<hbm>>
        %dma_start3A_246 = tpu.memref_slice %arg3[%mul3A_144] : memref<320000xi32, #tpu.memory_space<hbm>> -> memref<256xi32, #tpu.memory_space<hbm>>
        tpu.enqueue_dma source(%dma_start3A_246 : memref<256xi32, #tpu.memory_space<hbm>>) target(%arg5 : memref<256xi32, #tpu.memory_space<vmem>>) target_semaphore(%run_scoped3A : memref<!tpu.dma_semaphore, #tpu.memory_space<semaphore_mem>>)
        %dma_wait3A_247 = tpu.memref_slice %arg3[%mul3A_144] : memref<320000xi32, #tpu.memory_space<hbm>> -> memref<256xi32, #tpu.memory_space<hbm>>
        %dma_wait3A_248 = tpu.memref_slice %arg3[%mul3A_144] : memref<320000xi32, #tpu.memory_space<hbm>> -> memref<256xi32, #tpu.memory_space<hbm>>
        tpu.wait_dma2 semaphore(%run_scoped3A : memref<!tpu.dma_semaphore, #tpu.memory_space<semaphore_mem>>) src(%dma_wait3A_248 : memref<256xi32, #tpu.memory_space<hbm>>) dst(%arg5 : memref<256xi32, #tpu.memory_space<vmem>>)
        tpu.yield
      }) : () -> ()
      %dma_start3A_145 = arith.constant 0 : i32
      %dma_start3A_146 = arith.constant 0 : i32
      %dma_start3A_147 = tpu.memref_slice %arg7[%dma_start3A_145, %dma_start3A_146] : memref<256x128xf32, #tpu.memory_space<vmem>> -> memref<128x128xf32, #tpu.memory_space<vmem>>
      %dma_start3A_148 = arith.constant 0 : i32
      %dma_start3A_149 = tpu.memref_slice %arg5[%dma_start3A_148] : memref<256xi32, #tpu.memory_space<vmem>> -> memref<128xi32, #tpu.memory_space<vmem>>
      %dma_start3A_150 = arith.constant 0 : i32
      %dma_start3A_151 = arith.constant 0 : i32
      %dma_start3A_152 = tpu.memref_slice %arg2[%dma_start3A_150, %dma_start3A_151] : memref<10000x128xf32, #tpu.memory_space<hbm>> -> memref<10000x128xf32, #tpu.memory_space<hbm>>
      tpu.enqueue_indirect_dma source(%dma_start3A_152 : memref<10000x128xf32, #tpu.memory_space<hbm>>) target(%dma_start3A_147 : memref<128x128xf32, #tpu.memory_space<vmem>>) offsets(%dma_start3A_149 : memref<128xi32, #tpu.memory_space<vmem>>) semaphore(%arg9 : memref<!tpu.dma_semaphore, #tpu.memory_space<semaphore_mem>>)
      %dma_start3A_153 = arith.constant 128 : i32
      %dma_start3A_154 = arith.constant 0 : i32
      %dma_start3A_155 = tpu.memref_slice %arg7[%dma_start3A_153, %dma_start3A_154] : memref<256x128xf32, #tpu.memory_space<vmem>> -> memref<128x128xf32, #tpu.memory_space<vmem>>
      %dma_start3A_156 = arith.constant 128 : i32
      %dma_start3A_157 = tpu.memref_slice %arg5[%dma_start3A_156] : memref<256xi32, #tpu.memory_space<vmem>> -> memref<128xi32, #tpu.memory_space<vmem>>
      %dma_start3A_158 = arith.constant 0 : i32
      %dma_start3A_159 = arith.constant 0 : i32
      %dma_start3A_160 = tpu.memref_slice %arg2[%dma_start3A_158, %dma_start3A_159] : memref<10000x128xf32, #tpu.memory_space<hbm>> -> memref<10000x128xf32, #tpu.memory_space<hbm>>
      tpu.enqueue_indirect_dma source(%dma_start3A_160 : memref<10000x128xf32, #tpu.memory_space<hbm>>) target(%dma_start3A_155 : memref<128x128xf32, #tpu.memory_space<vmem>>) offsets(%dma_start3A_157 : memref<128xi32, #tpu.memory_space<vmem>>) semaphore(%arg9 : memref<!tpu.dma_semaphore, #tpu.memory_space<semaphore_mem>>)
      %dma_wait3A_161 = arith.constant 0 : i32
      %dma_wait3A_162 = arith.constant 0 : i32
      %dma_wait3A_163 = tpu.memref_slice %arg8[%dma_wait3A_161, %dma_wait3A_162] : memref<256x128xf32, #tpu.memory_space<vmem>> -> memref<128x128xf32, #tpu.memory_space<vmem>>
      %dma_wait3A_164 = arith.constant 0 : i32
      %dma_wait3A_165 = tpu.memref_slice %arg6[%dma_wait3A_164] : memref<256xi32, #tpu.memory_space<vmem>> -> memref<128xi32, #tpu.memory_space<vmem>>
      %dma_wait3A_166 = arith.constant 0 : i32
      %dma_wait3A_167 = arith.constant 0 : i32
      %dma_wait3A_168 = tpu.memref_slice %arg2[%dma_wait3A_166, %dma_wait3A_167] : memref<10000x128xf32, #tpu.memory_space<hbm>> -> memref<10000x128xf32, #tpu.memory_space<hbm>>
      tpu.wait_indirect_dma semaphore(%arg10 : memref<!tpu.dma_semaphore, #tpu.memory_space<semaphore_mem>>) src(%dma_wait3A_168 : memref<10000x128xf32, #tpu.memory_space<hbm>>) dst(%dma_wait3A_163 : memref<128x128xf32, #tpu.memory_space<vmem>>)
      %dma_wait3A_169 = arith.constant 128 : i32
      %dma_wait3A_170 = arith.constant 0 : i32
      %dma_wait3A_171 = tpu.memref_slice %arg8[%dma_wait3A_169, %dma_wait3A_170] : memref<256x128xf32, #tpu.memory_space<vmem>> -> memref<128x128xf32, #tpu.memory_space<vmem>>
      %dma_wait3A_172 = arith.constant 128 : i32
      %dma_wait3A_173 = tpu.memref_slice %arg6[%dma_wait3A_172] : memref<256xi32, #tpu.memory_space<vmem>> -> memref<128xi32, #tpu.memory_space<vmem>>
      %dma_wait3A_174 = arith.constant 0 : i32
      %dma_wait3A_175 = arith.constant 0 : i32
      %dma_wait3A_176 = tpu.memref_slice %arg2[%dma_wait3A_174, %dma_wait3A_175] : memref<10000x128xf32, #tpu.memory_space<hbm>> -> memref<10000x128xf32, #tpu.memory_space<hbm>>
      tpu.wait_indirect_dma semaphore(%arg10 : memref<!tpu.dma_semaphore, #tpu.memory_space<semaphore_mem>>) src(%dma_wait3A_176 : memref<10000x128xf32, #tpu.memory_space<hbm>>) dst(%dma_wait3A_171 : memref<128x128xf32, #tpu.memory_space<vmem>>)
      %sub3A_177 = arith.constant 2 : i32
      %sub3A_178 = arith.subi %add3A_129, %sub3A_177 : i32
      %add3A_179 = arith.addi %mul3A_2, %sub3A_178 : i32
      %min3A_180 = arith.constant 1249 : i32
      %min3A_181 = arith.minsi %add3A_179, %min3A_180 : i32
      %mul3A_182 = arith.constant 256 : i32
      %mul3A_183 = arith.muli %min3A_181, %mul3A_182 : i32
      %dma_start3A_184 = arith.constant 0 : i32
      %dma_start3A_185 = tpu.memref_slice %arg4[%mul3A_183, %dma_start3A_184] : memref<320000x128xf32, #tpu.memory_space<hbm>> -> memref<256x128xf32, #tpu.memory_space<hbm>>
      %dma_start3A_186 = arith.constant 0 : i32
      %dma_start3A_187 = tpu.memref_slice %arg4[%mul3A_183, %dma_start3A_186] : memref<320000x128xf32, #tpu.memory_space<hbm>> -> memref<256x128xf32, #tpu.memory_space<hbm>>
      tpu.enqueue_dma source(%arg8 : memref<256x128xf32, #tpu.memory_space<vmem>>) target(%dma_start3A_187 : memref<256x128xf32, #tpu.memory_space<hbm>>) target_semaphore(%arg12 : memref<!tpu.dma_semaphore, #tpu.memory_space<semaphore_mem>>)
      %sub3A_188 = arith.constant 2 : i32
      %sub3A_189 = arith.subi %add3A_129, %sub3A_188 : i32
      %add3A_190 = arith.addi %mul3A_2, %sub3A_189 : i32
      %min3A_191 = arith.constant 1249 : i32
      %min3A_192 = arith.minsi %add3A_190, %min3A_191 : i32
      %mul3A_193 = arith.constant 256 : i32
      %mul3A_194 = arith.muli %min3A_192, %mul3A_193 : i32
      %dma_wait3A_195 = arith.constant 0 : i32
      %dma_wait3A_196 = tpu.memref_slice %arg4[%mul3A_194, %dma_wait3A_195] : memref<320000x128xf32, #tpu.memory_space<hbm>> -> memref<256x128xf32, #tpu.memory_space<hbm>>
      %dma_wait3A_197 = arith.constant 0 : i32
      %dma_wait3A_198 = tpu.memref_slice %arg4[%mul3A_194, %dma_wait3A_197] : memref<320000x128xf32, #tpu.memory_space<hbm>> -> memref<256x128xf32, #tpu.memory_space<hbm>>
      tpu.wait_dma2 semaphore(%arg12 : memref<!tpu.dma_semaphore, #tpu.memory_space<semaphore_mem>>) src(%arg8 : memref<256x128xf32, #tpu.memory_space<vmem>>) dst(%dma_wait3A_198 : memref<256x128xf32, #tpu.memory_space<hbm>>)
      %add3A_199 = arith.addi %mul3A_2, %add3A_129 : i32
      %min3A_200 = arith.constant 1249 : i32
      %min3A_201 = arith.minsi %add3A_199, %min3A_200 : i32
      %mul3A_202 = arith.constant 256 : i32
      %mul3A_203 = arith.muli %min3A_201, %mul3A_202 : i32
      "tpu.region"() ({
        %run_scoped3A = tpu.sem_alloc : memref<!tpu.dma_semaphore, #tpu.memory_space<semaphore_mem>>
        %dma_start3A_245 = tpu.memref_slice %arg3[%mul3A_203] : memref<320000xi32, #tpu.memory_space<hbm>> -> memref<256xi32, #tpu.memory_space<hbm>>
        %dma_start3A_246 = tpu.memref_slice %arg3[%mul3A_203] : memref<320000xi32, #tpu.memory_space<hbm>> -> memref<256xi32, #tpu.memory_space<hbm>>
        tpu.enqueue_dma source(%dma_start3A_246 : memref<256xi32, #tpu.memory_space<hbm>>) target(%arg6 : memref<256xi32, #tpu.memory_space<vmem>>) target_semaphore(%run_scoped3A : memref<!tpu.dma_semaphore, #tpu.memory_space<semaphore_mem>>)
        %dma_wait3A_247 = tpu.memref_slice %arg3[%mul3A_203] : memref<320000xi32, #tpu.memory_space<hbm>> -> memref<256xi32, #tpu.memory_space<hbm>>
        %dma_wait3A_248 = tpu.memref_slice %arg3[%mul3A_203] : memref<320000xi32, #tpu.memory_space<hbm>> -> memref<256xi32, #tpu.memory_space<hbm>>
        tpu.wait_dma2 semaphore(%run_scoped3A : memref<!tpu.dma_semaphore, #tpu.memory_space<semaphore_mem>>) src(%dma_wait3A_248 : memref<256xi32, #tpu.memory_space<hbm>>) dst(%arg6 : memref<256xi32, #tpu.memory_space<vmem>>)
        tpu.yield
      }) : () -> ()
      %dma_start3A_204 = arith.constant 0 : i32
      %dma_start3A_205 = arith.constant 0 : i32
      %dma_start3A_206 = tpu.memref_slice %arg8[%dma_start3A_204, %dma_start3A_205] : memref<256x128xf32, #tpu.memory_space<vmem>> -> memref<128x128xf32, #tpu.memory_space<vmem>>
      %dma_start3A_207 = arith.constant 0 : i32
      %dma_start3A_208 = tpu.memref_slice %arg6[%dma_start3A_207] : memref<256xi32, #tpu.memory_space<vmem>> -> memref<128xi32, #tpu.memory_space<vmem>>
      %dma_start3A_209 = arith.constant 0 : i32
      %dma_start3A_210 = arith.constant 0 : i32
      %dma_start3A_211 = tpu.memref_slice %arg2[%dma_start3A_209, %dma_start3A_210] : memref<10000x128xf32, #tpu.memory_space<hbm>> -> memref<10000x128xf32, #tpu.memory_space<hbm>>
      tpu.enqueue_indirect_dma source(%dma_start3A_211 : memref<10000x128xf32, #tpu.memory_space<hbm>>) target(%dma_start3A_206 : memref<128x128xf32, #tpu.memory_space<vmem>>) offsets(%dma_start3A_208 : memref<128xi32, #tpu.memory_space<vmem>>) semaphore(%arg10 : memref<!tpu.dma_semaphore, #tpu.memory_space<semaphore_mem>>)
      %dma_start3A_212 = arith.constant 128 : i32
      %dma_start3A_213 = arith.constant 0 : i32
      %dma_start3A_214 = tpu.memref_slice %arg8[%dma_start3A_212, %dma_start3A_213] : memref<256x128xf32, #tpu.memory_space<vmem>> -> memref<128x128xf32, #tpu.memory_space<vmem>>
      %dma_start3A_215 = arith.constant 128 : i32
      %dma_start3A_216 = tpu.memref_slice %arg6[%dma_start3A_215] : memref<256xi32, #tpu.memory_space<vmem>> -> memref<128xi32, #tpu.memory_space<vmem>>
      %dma_start3A_217 = arith.constant 0 : i32
      %dma_start3A_218 = arith.constant 0 : i32
      %dma_start3A_219 = tpu.memref_slice %arg2[%dma_start3A_217, %dma_start3A_218] : memref<10000x128xf32, #tpu.memory_space<hbm>> -> memref<10000x128xf32, #tpu.memory_space<hbm>>
      tpu.enqueue_indirect_dma source(%dma_start3A_219 : memref<10000x128xf32, #tpu.memory_space<hbm>>) target(%dma_start3A_214 : memref<128x128xf32, #tpu.memory_space<vmem>>) offsets(%dma_start3A_216 : memref<128xi32, #tpu.memory_space<vmem>>) semaphore(%arg10 : memref<!tpu.dma_semaphore, #tpu.memory_space<semaphore_mem>>)
      %dma_wait3A_220 = arith.constant 0 : i32
      %dma_wait3A_221 = arith.constant 0 : i32
      %dma_wait3A_222 = tpu.memref_slice %arg7[%dma_wait3A_220, %dma_wait3A_221] : memref<256x128xf32, #tpu.memory_space<vmem>> -> memref<128x128xf32, #tpu.memory_space<vmem>>
      %dma_wait3A_223 = arith.constant 0 : i32
      %dma_wait3A_224 = tpu.memref_slice %arg5[%dma_wait3A_223] : memref<256xi32, #tpu.memory_space<vmem>> -> memref<128xi32, #tpu.memory_space<vmem>>
      %dma_wait3A_225 = arith.constant 0 : i32
      %dma_wait3A_226 = arith.constant 0 : i32
      %dma_wait3A_227 = tpu.memref_slice %arg2[%dma_wait3A_225, %dma_wait3A_226] : memref<10000x128xf32, #tpu.memory_space<hbm>> -> memref<10000x128xf32, #tpu.memory_space<hbm>>
      tpu.wait_indirect_dma semaphore(%arg9 : memref<!tpu.dma_semaphore, #tpu.memory_space<semaphore_mem>>) src(%dma_wait3A_227 : memref<10000x128xf32, #tpu.memory_space<hbm>>) dst(%dma_wait3A_222 : memref<128x128xf32, #tpu.memory_space<vmem>>)
      %dma_wait3A_228 = arith.constant 128 : i32
      %dma_wait3A_229 = arith.constant 0 : i32
      %dma_wait3A_230 = tpu.memref_slice %arg7[%dma_wait3A_228, %dma_wait3A_229] : memref<256x128xf32, #tpu.memory_space<vmem>> -> memref<128x128xf32, #tpu.memory_space<vmem>>
      %dma_wait3A_231 = arith.constant 128 : i32
      %dma_wait3A_232 = tpu.memref_slice %arg5[%dma_wait3A_231] : memref<256xi32, #tpu.memory_space<vmem>> -> memref<128xi32, #tpu.memory_space<vmem>>
      %dma_wait3A_233 = arith.constant 0 : i32
      %dma_wait3A_234 = arith.constant 0 : i32
      %dma_wait3A_235 = tpu.memref_slice %arg2[%dma_wait3A_233, %dma_wait3A_234] : memref<10000x128xf32, #tpu.memory_space<hbm>> -> memref<10000x128xf32, #tpu.memory_space<hbm>>
      tpu.wait_indirect_dma semaphore(%arg9 : memref<!tpu.dma_semaphore, #tpu.memory_space<semaphore_mem>>) src(%dma_wait3A_235 : memref<10000x128xf32, #tpu.memory_space<hbm>>) dst(%dma_wait3A_230 : memref<128x128xf32, #tpu.memory_space<vmem>>)
      %add3A_236 = arith.addi %mul3A_2, %add3A_125 : i32
      %min3A_237 = arith.constant 1249 : i32
      %min3A_238 = arith.minsi %add3A_236, %min3A_237 : i32
      %mul3A_239 = arith.constant 256 : i32
      %mul3A_240 = arith.muli %min3A_238, %mul3A_239 : i32
      %dma_start3A_241 = arith.constant 0 : i32
      %dma_start3A_242 = tpu.memref_slice %arg4[%mul3A_240, %dma_start3A_241] : memref<320000x128xf32, #tpu.memory_space<hbm>> -> memref<256x128xf32, #tpu.memory_space<hbm>>
      %dma_start3A_243 = arith.constant 0 : i32
      %dma_start3A_244 = tpu.memref_slice %arg4[%mul3A_240, %dma_start3A_243] : memref<320000x128xf32, #tpu.memory_space<hbm>> -> memref<256x128xf32, #tpu.memory_space<hbm>>
      tpu.enqueue_dma source(%arg7 : memref<256x128xf32, #tpu.memory_space<vmem>>) target(%dma_start3A_244 : memref<256x128xf32, #tpu.memory_space<hbm>>) target_semaphore(%arg11 : memref<!tpu.dma_semaphore, #tpu.memory_space<semaphore_mem>>)
    }
    %scan3A_74 = arith.constant 19 : i32
    %dma_wait3A_75 = arith.constant 0 : i32
    %dma_wait3A_76 = arith.constant 0 : i32
    %dma_wait3A_77 = tpu.memref_slice %arg8[%dma_wait3A_75, %dma_wait3A_76] : memref<256x128xf32, #tpu.memory_space<vmem>> -> memref<128x128xf32, #tpu.memory_space<vmem>>
    %dma_wait3A_78 = arith.constant 0 : i32
    %dma_wait3A_79 = tpu.memref_slice %arg6[%dma_wait3A_78] : memref<256xi32, #tpu.memory_space<vmem>> -> memref<128xi32, #tpu.memory_space<vmem>>
    %dma_wait3A_80 = arith.constant 0 : i32
    %dma_wait3A_81 = arith.constant 0 : i32
    %dma_wait3A_82 = tpu.memref_slice %arg2[%dma_wait3A_80, %dma_wait3A_81] : memref<10000x128xf32, #tpu.memory_space<hbm>> -> memref<10000x128xf32, #tpu.memory_space<hbm>>
    tpu.wait_indirect_dma semaphore(%arg10 : memref<!tpu.dma_semaphore, #tpu.memory_space<semaphore_mem>>) src(%dma_wait3A_82 : memref<10000x128xf32, #tpu.memory_space<hbm>>) dst(%dma_wait3A_77 : memref<128x128xf32, #tpu.memory_space<vmem>>)
    %dma_wait3A_83 = arith.constant 128 : i32
    %dma_wait3A_84 = arith.constant 0 : i32
    %dma_wait3A_85 = tpu.memref_slice %arg8[%dma_wait3A_83, %dma_wait3A_84] : memref<256x128xf32, #tpu.memory_space<vmem>> -> memref<128x128xf32, #tpu.memory_space<vmem>>
    %dma_wait3A_86 = arith.constant 128 : i32
    %dma_wait3A_87 = tpu.memref_slice %arg6[%dma_wait3A_86] : memref<256xi32, #tpu.memory_space<vmem>> -> memref<128xi32, #tpu.memory_space<vmem>>
    %dma_wait3A_88 = arith.constant 0 : i32
    %dma_wait3A_89 = arith.constant 0 : i32
    %dma_wait3A_90 = tpu.memref_slice %arg2[%dma_wait3A_88, %dma_wait3A_89] : memref<10000x128xf32, #tpu.memory_space<hbm>> -> memref<10000x128xf32, #tpu.memory_space<hbm>>
    tpu.wait_indirect_dma semaphore(%arg10 : memref<!tpu.dma_semaphore, #tpu.memory_space<semaphore_mem>>) src(%dma_wait3A_90 : memref<10000x128xf32, #tpu.memory_space<hbm>>) dst(%dma_wait3A_85 : memref<128x128xf32, #tpu.memory_space<vmem>>)
    %add3A_91 = arith.constant 39 : i32
    %add3A_92 = arith.addi %mul3A_2, %add3A_91 : i32
    %min3A_93 = arith.constant 1249 : i32
    %min3A_94 = arith.minsi %add3A_92, %min3A_93 : i32
    %mul3A_95 = arith.constant 256 : i32
    %mul3A_96 = arith.muli %min3A_94, %mul3A_95 : i32
    %dma_start3A_97 = arith.constant 0 : i32
    %dma_start3A_98 = tpu.memref_slice %arg4[%mul3A_96, %dma_start3A_97] : memref<320000x128xf32, #tpu.memory_space<hbm>> -> memref<256x128xf32, #tpu.memory_space<hbm>>
    %dma_start3A_99 = arith.constant 0 : i32
    %dma_start3A_100 = tpu.memref_slice %arg4[%mul3A_96, %dma_start3A_99] : memref<320000x128xf32, #tpu.memory_space<hbm>> -> memref<256x128xf32, #tpu.memory_space<hbm>>
    tpu.enqueue_dma source(%arg8 : memref<256x128xf32, #tpu.memory_space<vmem>>) target(%dma_start3A_100 : memref<256x128xf32, #tpu.memory_space<hbm>>) target_semaphore(%arg12 : memref<!tpu.dma_semaphore, #tpu.memory_space<semaphore_mem>>)
    %add3A_101 = arith.constant 38 : i32
    %add3A_102 = arith.addi %mul3A_2, %add3A_101 : i32
    %min3A_103 = arith.constant 1249 : i32
    %min3A_104 = arith.minsi %add3A_102, %min3A_103 : i32
    %mul3A_105 = arith.constant 256 : i32
    %mul3A_106 = arith.muli %min3A_104, %mul3A_105 : i32
    %dma_wait3A_107 = arith.constant 0 : i32
    %dma_wait3A_108 = tpu.memref_slice %arg4[%mul3A_106, %dma_wait3A_107] : memref<320000x128xf32, #tpu.memory_space<hbm>> -> memref<256x128xf32, #tpu.memory_space<hbm>>
    %dma_wait3A_109 = arith.constant 0 : i32
    %dma_wait3A_110 = tpu.memref_slice %arg4[%mul3A_106, %dma_wait3A_109] : memref<320000x128xf32, #tpu.memory_space<hbm>> -> memref<256x128xf32, #tpu.memory_space<hbm>>
    tpu.wait_dma2 semaphore(%arg11 : memref<!tpu.dma_semaphore, #tpu.memory_space<semaphore_mem>>) src(%arg7 : memref<256x128xf32, #tpu.memory_space<vmem>>) dst(%dma_wait3A_110 : memref<256x128xf32, #tpu.memory_space<hbm>>)
    %add3A_111 = arith.constant 39 : i32
    %add3A_112 = arith.addi %mul3A_2, %add3A_111 : i32
    %min3A_113 = arith.constant 1249 : i32
    %min3A_114 = arith.minsi %add3A_112, %min3A_113 : i32
    %mul3A_115 = arith.constant 256 : i32
    %mul3A_116 = arith.muli %min3A_114, %mul3A_115 : i32
    %dma_wait3A_117 = arith.constant 0 : i32
    %dma_wait3A_118 = tpu.memref_slice %arg4[%mul3A_116, %dma_wait3A_117] : memref<320000x128xf32, #tpu.memory_space<hbm>> -> memref<256x128xf32, #tpu.memory_space<hbm>>
    %dma_wait3A_119 = arith.constant 0 : i32
    %dma_wait3A_120 = tpu.memref_slice %arg4[%mul3A_116, %dma_wait3A_119] : memref<320000x128xf32, #tpu.memory_space<hbm>> -> memref<256x128xf32, #tpu.memory_space<hbm>>
    tpu.wait_dma2 semaphore(%arg12 : memref<!tpu.dma_semaphore, #tpu.memory_space<semaphore_mem>>) src(%arg8 : memref<256x128xf32, #tpu.memory_space<vmem>>) dst(%dma_wait3A_120 : memref<256x128xf32, #tpu.memory_space<hbm>>)
    return
  }
}

module attributes {stable_mosaic.version = 14 : i64} {
  func.func @_seg_body(%arg0: i32, %arg1: memref<1600x128xf32, #tpu.memory_space<vmem>>, %arg2: memref<1x1x1600xi32, #tpu.memory_space<vmem>>, %arg3: memref<1x1x1600xi32, #tpu.memory_space<vmem>>, %arg4: memref<128x256xf32, #tpu.memory_space<vmem>>, %arg5: memref<1x256xf32, #tpu.memory_space<vmem>>, %arg6: memref<128x128xf32, #tpu.memory_space<vmem>>, %arg7: memref<1x128xf32, #tpu.memory_space<vmem>>, %arg8: memref<1600x1600xf32, #tpu.memory_space<vmem>>, %arg9: memref<10000x128xf32, #tpu.memory_space<vmem>>, %arg10: memref<1x1x1600xi32, #tpu.memory_space<vmem>>, %arg11: memref<11616x256xf32, #tpu.memory_space<vmem>>, %arg12: memref<1xi32, #tpu.memory_space<smem>>) attributes {dimension_semantics = [#tpu.dimension_semantics<arbitrary>], iteration_bounds = array<i64: 200>, scalar_prefetch = 0 : i64, scratch_operands = 2 : i64, tpu.core_type = #tpu.core_type<tc>, window_params = [{transform_indices = @transform_0, window_bounds = array<i64: 1600, 128>}, {transform_indices = @transform_1, window_bounds = array<i64: 1, 1, 1600>}, {transform_indices = @transform_2, window_bounds = array<i64: 1, 1, 1600>}, {pipeline_mode = #tpu.pipeline_mode<synchronous>, transform_indices = @transform_3, window_bounds = array<i64: 128, 256>}, {pipeline_mode = #tpu.pipeline_mode<synchronous>, transform_indices = @transform_4, window_bounds = array<i64: 1, 256>}, {pipeline_mode = #tpu.pipeline_mode<synchronous>, transform_indices = @transform_5, window_bounds = array<i64: 128, 128>}, {pipeline_mode = #tpu.pipeline_mode<synchronous>, transform_indices = @transform_6, window_bounds = array<i64: 1, 128>}, {pipeline_mode = #tpu.pipeline_mode<synchronous>, transform_indices = @transform_7, window_bounds = array<i64: 1600, 1600>}, {pipeline_mode = #tpu.pipeline_mode<synchronous>, transform_indices = @transform_8, window_bounds = array<i64: 10000, 128>}, {transform_indices = @transform_9, window_bounds = array<i64: 1, 1, 1600>}]} {
    %eq3A = arith.constant 0 : i32
    %eq3A_0 = arith.cmpi eq, %arg0, %eq3A : i32
    %convert_element_type3A = arith.extui %eq3A_0 : i1 to i32
    %cond3A = arith.constant 0 : i32
    %cond3A_1 = arith.cmpi ne, %convert_element_type3A, %cond3A : i32
    scf.if %cond3A_1 {
      %swap3A_94 = arith.constant 0 : i32
      %swap3A_95 = arith.constant 0 : index
      %swap3A_96 = memref.load %arg12[%swap3A_95] : memref<1xi32, #tpu.memory_space<smem>>
      memref.store %swap3A_94, %arg12[%swap3A_95] : memref<1xi32, #tpu.memory_space<smem>>
      %broadcast_in_dim3A_97 = arith.constant 0.000000e+00 : f32
      %broadcast_in_dim3A_98 = vector.broadcast %broadcast_in_dim3A_97 : f32 to vector<11616x256xf32>
      %swap3A_99 = arith.constant 0 : index
      %swap3A_100 = arith.constant 0 : index
      %swap3A_101 = vector.load %arg11[%swap3A_99, %swap3A_100] : memref<11616x256xf32, #tpu.memory_space<vmem>>, vector<11616x256xf32>
      tpu.vector_store %arg11[%swap3A_99, %swap3A_100], %broadcast_in_dim3A_98 {strides = array<i32>} : memref<11616x256xf32, #tpu.memory_space<vmem>>, vector<11616x256xf32>,
    } else {
    }
    %get3A = arith.constant 0 : index
    %get3A_2 = arith.constant 0 : index
    %get3A_3 = vector.load %arg1[%get3A, %get3A_2] : memref<1600x128xf32, #tpu.memory_space<vmem>>, vector<1600x128xf32>
    %get3A_4 = arith.constant 0 : index
    %get3A_5 = arith.constant 0 : index
    %get3A_6 = vector.load %arg4[%get3A_4, %get3A_5] : memref<128x256xf32, #tpu.memory_space<vmem>>, vector<128x256xf32>
    %dot_general3A = arith.constant dense<0.000000e+00> : vector<1600x256xf32>
    %dot_general3A_7 = tpu.matmul %get3A_3, %get3A_6, %dot_general3A {dimension_numbers = #tpu.dot_dimension_numbers<[1], [0], [0], [1], [0, 0, 1, 1], [], []>, transpose_lhs_hint = false} : vector<1600x128xf32>, vector<128x256xf32>, vector<1600x256xf32> -> vector<1600x256xf32>
    %get3A_8 = arith.constant 0 : index
    %get3A_9 = arith.constant 0 : index
    %get3A_10 = vector.load %arg5[%get3A_8, %get3A_9] : memref<1x256xf32, #tpu.memory_space<vmem>>, vector<1x256xf32>
    %add3A = vector.broadcast %get3A_10 : vector<1x256xf32> to vector<1600x256xf32>
    %add3A_11 = arith.addf %dot_general3A_7, %add3A : vector<1600x256xf32>
    %slice3A = vector.extract_strided_slice %add3A_11 {offsets = [0, 0], sizes = [1600, 128], strides = [1, 1]} : vector<1600x256xf32> to vector<1600x128xf32>
    %slice3A_12 = vector.extract_strided_slice %add3A_11 {offsets = [0, 128], sizes = [1600, 128], strides = [1, 1]} : vector<1600x256xf32> to vector<1600x128xf32>
    %exp3A = math.exp %slice3A_12 : vector<1600x128xf32>
    %mul3A = arith.mulf %slice3A, %exp3A : vector<1600x128xf32>
    %concatenate3A = tpu.concatenate %mul3A, %exp3A in 1 : vector<1600x128xf32>, vector<1600x128xf32> -> vector<1600x256xf32>
    %get3A_13 = arith.constant 0 : index
    %get3A_14 = arith.constant 0 : index
    %get3A_15 = arith.constant 0 : index
    %get3A_16 = vector.load %arg2[%get3A_13, %get3A_14, %get3A_15] : memref<1x1x1600xi32, #tpu.memory_space<vmem>>, vector<1x1x1600xi32>
    %get3A_17 = vector.shape_cast %get3A_16 : vector<1x1x1600xi32> to vector<1x1600xi32>
    %get3A_18 = arith.constant 0 : index
    %get3A_19 = arith.constant 0 : index
    %get3A_20 = arith.constant 0 : index
    %get3A_21 = vector.load %arg3[%get3A_18, %get3A_19, %get3A_20] : memref<1x1x1600xi32, #tpu.memory_space<vmem>>, vector<1x1x1600xi32>
    %get3A_22 = vector.shape_cast %get3A_21 : vector<1x1x1600xi32> to vector<1x1600xi32>
    %ne3A = arith.cmpi ne, %get3A_17, %get3A_22 : vector<1x1600xi32>
    %convert_element_type3A_23 = arith.extui %ne3A : vector<1x1600xi1> to vector<1x1600xi32>
    %convert_element_type3A_24 = arith.sitofp %convert_element_type3A_23 : vector<1x1600xi32> to vector<1x1600xf32>
    %get3A_25 = arith.constant 0 : index
    %get3A_26 = arith.constant 0 : index
    %get3A_27 = vector.load %arg8[%get3A_25, %get3A_26] : memref<1600x1600xf32, #tpu.memory_space<vmem>>, vector<1600x1600xf32>
    %dot_general3A_28 = arith.constant dense<0.000000e+00> : vector<1x1600xf32>
    %dot_general3A_29 = tpu.matmul %convert_element_type3A_24, %get3A_27, %dot_general3A_28 {dimension_numbers = #tpu.dot_dimension_numbers<[1], [0], [0], [1], [0, 0, 1, 1], [], []>, transpose_lhs_hint = false} : vector<1x1600xf32>, vector<1600x1600xf32>, vector<1x1600xf32> -> vector<1x1600xf32>
    %reduce_sum3A = vector.shape_cast %convert_element_type3A_24 : vector<1x1600xf32> to vector<1x1x1600xf32>
    %reduce_sum3A_30 = arith.constant dense<0.000000e+00> : vector<1xf32>
    %reduce_sum3A_31 = vector.multi_reduction <add>, %reduce_sum3A, %reduce_sum3A_30 [1, 2] : vector<1x1x1600xf32> to vector<1xf32>
    %reduce_sum3A_32 = vector.shape_cast %reduce_sum3A_31 : vector<1xf32> to vector<1x1x1xf32>
    %reduce_sum3A_33 = vector.extract %reduce_sum3A_32[0, 0, 0] : f32 from vector<1x1x1xf32>
    %convert_element_type3A_34 = arith.fptosi %reduce_sum3A_33 : f32 to i32
    %get3A_35 = arith.constant 0 : index
    %get3A_36 = memref.load %arg12[%get3A_35] : memref<1xi32, #tpu.memory_space<smem>>
    %convert_element_type3A_37 = arith.fptosi %dot_general3A_29 : vector<1x1600xf32> to vector<1x1600xi32>
    %add3A_38 = vector.broadcast %get3A_36 : i32 to vector<1x1600xi32>
    %add3A_39 = arith.addi %add3A_38, %convert_element_type3A_37 : vector<1x1600xi32>
    %swap3A = arith.constant 0 : index
    %swap3A_40 = arith.constant 0 : index
    %swap3A_41 = arith.constant 0 : index
    %swap3A_42 = vector.load %arg10[%swap3A, %swap3A_40, %swap3A_41] : memref<1x1x1600xi32, #tpu.memory_space<vmem>>, vector<1x1x1600xi32>
    %swap3A_43 = vector.shape_cast %swap3A_42 : vector<1x1x1600xi32> to vector<1x1600xi32>
    %swap3A_44 = vector.shape_cast %add3A_39 : vector<1x1600xi32> to vector<1x1x1600xi32>
    tpu.vector_store %arg10[%swap3A, %swap3A_40, %swap3A_41], %swap3A_44 {strides = array<i32>} : memref<1x1x1600xi32, #tpu.memory_space<vmem>>, vector<1x1x1600xi32>,
    %add3A_45 = arith.addi %get3A_36, %convert_element_type3A_34 : i32
    %swap3A_46 = arith.constant 0 : index
    %swap3A_47 = memref.load %arg12[%swap3A_46] : memref<1xi32, #tpu.memory_space<smem>>
    memref.store %add3A_45, %arg12[%swap3A_46] : memref<1xi32, #tpu.memory_space<smem>>
    %jit3A = arith.constant 8 : i32
    %div3A = arith.divsi %get3A_36, %jit3A : i32
    %sign3A = arith.constant 0 : i32
    %sign3A_48 = arith.cmpi sgt, %get3A_36, %sign3A : i32
    %sign3A_49 = arith.extui %sign3A_48 : i1 to i32
    %sign3A_50 = arith.constant 0 : i32
    %sign3A_51 = arith.cmpi slt, %get3A_36, %sign3A_50 : i32
    %sign3A_52 = arith.extui %sign3A_51 : i1 to i32
    %sign3A_53 = arith.subi %sign3A_49, %sign3A_52 : i32
    %sign3A_54 = arith.constant 0 : i32
    %sign3A_55 = arith.cmpi sgt, %jit3A, %sign3A_54 : i32
    %sign3A_56 = arith.extui %sign3A_55 : i1 to i32
    %sign3A_57 = arith.constant 0 : i32
    %sign3A_58 = arith.cmpi slt, %jit3A, %sign3A_57 : i32
    %sign3A_59 = arith.extui %sign3A_58 : i1 to i32
    %sign3A_60 = arith.subi %sign3A_56, %sign3A_59 : i32
    %ne3A_61 = arith.cmpi ne, %sign3A_53, %sign3A_60 : i32
    %rem3A = arith.remsi %get3A_36, %jit3A : i32
    %ne3A_62 = arith.constant 0 : i32
    %ne3A_63 = arith.cmpi ne, %rem3A, %ne3A_62 : i32
    %and3A = arith.andi %ne3A_61, %ne3A_63 : i1
    %sub3A = arith.constant 1 : i32
    %sub3A_64 = arith.subi %div3A, %sub3A : i32
    %select_n3A = arith.select %and3A, %sub3A_64, %div3A : i32
    %mul3A_65 = arith.constant 8 : i32
    %mul3A_66 = arith.muli %select_n3A, %mul3A_65 : i32
    %sub3A_67 = arith.subi %get3A_36, %mul3A_66 : i32
    %convert_element_type3A_68 = arith.sitofp %sub3A_67 : i32 to f32
    %add3A_69 = vector.broadcast %convert_element_type3A_68 : f32 to vector<1x1600xf32>
    %add3A_70 = arith.addf %dot_general3A_29, %add3A_69 : vector<1x1600xf32>
    %convert_element_type3A_71 = arith.fptosi %add3A_70 : vector<1x1600xf32> to vector<1x1600xi32>
    %iota3A = tpu.iota {dimensions = array<i32: 0>} : vector<136x1600xi32>
    %broadcast_in_dim3A = vector.shape_cast %convert_element_type3A_71 : vector<1x1600xi32> to vector<1x1600xi32>
    %broadcast_in_dim3A_72 = vector.broadcast %broadcast_in_dim3A : vector<1x1600xi32> to vector<136x1600xi32>
    %eq3A_73 = arith.cmpi eq, %iota3A, %broadcast_in_dim3A_72 : vector<136x1600xi32>
    %convert_element_type3A_74 = arith.extui %eq3A_73 : vector<136x1600xi1> to vector<136x1600xi32>
    %convert_element_type3A_75 = arith.sitofp %convert_element_type3A_74 : vector<136x1600xi32> to vector<136x1600xf32>
    %dot_general3A_76 = arith.constant dense<0.000000e+00> : vector<136x256xf32>
    %dot_general3A_77 = tpu.matmul %convert_element_type3A_75, %concatenate3A, %dot_general3A_76 {dimension_numbers = #tpu.dot_dimension_numbers<[1], [0], [0], [1], [0, 0, 1, 1], [], []>, transpose_lhs_hint = false} : vector<136x1600xf32>, vector<1600x256xf32>, vector<136x256xf32> -> vector<136x256xf32>
    %get3A_78 = arith.index_cast %mul3A_66 : i32 to index
    %get3A_79 = arith.constant 0 : index
    %get3A_80 = vector.load %arg11[%get3A_78, %get3A_79] : memref<11616x256xf32, #tpu.memory_space<vmem>>, vector<136x256xf32>
    %add3A_81 = arith.addf %get3A_80, %dot_general3A_77 : vector<136x256xf32>
    %swap3A_82 = arith.index_cast %mul3A_66 : i32 to index
    %swap3A_83 = arith.constant 0 : index
    %swap3A_84 = vector.load %arg11[%swap3A_82, %swap3A_83] : memref<11616x256xf32, #tpu.memory_space<vmem>>, vector<136x256xf32>
    tpu.vector_store %arg11[%swap3A_82, %swap3A_83], %add3A_81 {strides = array<i32>} : memref<11616x256xf32, #tpu.memory_space<vmem>>, vector<136x256xf32>,
    %ge3A = arith.constant 128 : i32
    %ge3A_85 = arith.cmpi sge, %convert_element_type3A_34, %ge3A : i32
    %convert_element_type3A_86 = arith.extui %ge3A_85 : i1 to i32
    %cond3A_87 = arith.constant 0 : i32
    %cond3A_88 = arith.cmpi ne, %convert_element_type3A_86, %cond3A_87 : i32
    scf.if %cond3A_88 {
      %iota3A_94 = tpu.iota {dimensions = array<i32: 0>} : vector<1608x1600xi32>
      %broadcast_in_dim3A_95 = vector.shape_cast %convert_element_type3A_71 : vector<1x1600xi32> to vector<1x1600xi32>
      %broadcast_in_dim3A_96 = vector.broadcast %broadcast_in_dim3A_95 : vector<1x1600xi32> to vector<1608x1600xi32>
      %eq3A_97 = arith.cmpi eq, %iota3A_94, %broadcast_in_dim3A_96 : vector<1608x1600xi32>
      %ge3A_98 = arith.constant 136 : i32
      %ge3A_99 = vector.broadcast %ge3A_98 : i32 to vector<1x1600xi32>
      %ge3A_100 = arith.cmpi sge, %convert_element_type3A_71, %ge3A_99 : vector<1x1600xi32>
      %broadcast_in_dim3A_101 = vector.shape_cast %ge3A_100 : vector<1x1600xi1> to vector<1x1600xi1>
      %broadcast_in_dim3A_102 = vector.broadcast %broadcast_in_dim3A_101 : vector<1x1600xi1> to vector<1608x1600xi1>
      %and3A_103 = arith.andi %eq3A_97, %broadcast_in_dim3A_102 : vector<1608x1600xi1>
      %convert_element_type3A_104 = arith.extui %and3A_103 : vector<1608x1600xi1> to vector<1608x1600xi32>
      %convert_element_type3A_105 = arith.sitofp %convert_element_type3A_104 : vector<1608x1600xi32> to vector<1608x1600xf32>
      %dot_general3A_106 = arith.constant dense<0.000000e+00> : vector<1608x256xf32>
      %dot_general3A_107 = tpu.matmul %convert_element_type3A_105, %concatenate3A, %dot_general3A_106 {dimension_numbers = #tpu.dot_dimension_numbers<[1], [0], [0], [1], [0, 0, 1, 1], [], []>, transpose_lhs_hint = false} : vector<1608x1600xf32>, vector<1600x256xf32>, vector<1608x256xf32> -> vector<1608x256xf32>
      %get3A_108 = arith.index_cast %mul3A_66 : i32 to index
      %get3A_109 = arith.constant 0 : index
      %get3A_110 = vector.load %arg11[%get3A_108, %get3A_109] : memref<11616x256xf32, #tpu.memory_space<vmem>>, vector<1608x256xf32>
      %add3A_111 = arith.addf %get3A_110, %dot_general3A_107 : vector<1608x256xf32>
      %swap3A_112 = arith.index_cast %mul3A_66 : i32 to index
      %swap3A_113 = arith.constant 0 : index
      %swap3A_114 = vector.load %arg11[%swap3A_112, %swap3A_113] : memref<11616x256xf32, #tpu.memory_space<vmem>>, vector<1608x256xf32>
      tpu.vector_store %arg11[%swap3A_112, %swap3A_113], %add3A_111 {strides = array<i32>} : memref<11616x256xf32, #tpu.memory_space<vmem>>, vector<1608x256xf32>,
    } else {
    }
    %eq3A_89 = arith.constant 199 : i32
    %eq3A_90 = arith.cmpi eq, %arg0, %eq3A_89 : i32
    %convert_element_type3A_91 = arith.extui %eq3A_90 : i1 to i32
    %cond3A_92 = arith.constant 0 : i32
    %cond3A_93 = arith.cmpi ne, %convert_element_type3A_91, %cond3A_92 : i32
    scf.if %cond3A_93 {
      %get3A_94 = arith.constant 0 : index
      %get3A_95 = arith.constant 0 : index
      %get3A_96 = vector.load %arg11[%get3A_94, %get3A_95] : memref<11616x256xf32, #tpu.memory_space<vmem>>, vector<10000x128xf32>
      %get3A_97 = arith.constant 0 : index
      %get3A_98 = arith.constant 128 : index
      %get3A_99 = vector.load %arg11[%get3A_97, %get3A_98] : memref<11616x256xf32, #tpu.memory_space<vmem>>, vector<10000x128xf32>
      %gt3A = arith.constant 0.000000e+00 : f32
      %gt3A_100 = vector.broadcast %gt3A : f32 to vector<10000x128xf32>
      %gt3A_101 = arith.cmpf ogt, %get3A_99, %gt3A_100 : vector<10000x128xf32>
      %jit3A_102 = arith.constant 1.000000e+00 : f32
      %broadcast_in_dim3A_103 = vector.broadcast %jit3A_102 : f32 to vector<10000x128xf32>
      %select_n3A_104 = arith.select %gt3A_101, %get3A_99, %broadcast_in_dim3A_103 : vector<10000x128xi1>, vector<10000x128xf32>
      %div3A_105 = arith.divf %get3A_96, %select_n3A_104 : vector<10000x128xf32>
      %get3A_106 = arith.constant 0 : index
      %get3A_107 = arith.constant 0 : index
      %get3A_108 = vector.load %arg6[%get3A_106, %get3A_107] : memref<128x128xf32, #tpu.memory_space<vmem>>, vector<128x128xf32>
      %dot_general3A_109 = arith.constant dense<0.000000e+00> : vector<10000x128xf32>
      %dot_general3A_110 = tpu.matmul %div3A_105, %get3A_108, %dot_general3A_109 {dimension_numbers = #tpu.dot_dimension_numbers<[1], [0], [0], [1], [0, 0, 1, 1], [], []>, transpose_lhs_hint = false} : vector<10000x128xf32>, vector<128x128xf32>, vector<10000x128xf32> -> vector<10000x128xf32>
      %get3A_111 = arith.constant 0 : index
      %get3A_112 = arith.constant 0 : index
      %get3A_113 = vector.load %arg7[%get3A_111, %get3A_112] : memref<1x128xf32, #tpu.memory_space<vmem>>, vector<1x128xf32>
      %add3A_114 = vector.broadcast %get3A_113 : vector<1x128xf32> to vector<10000x128xf32>
      %add3A_115 = arith.addf %dot_general3A_110, %add3A_114 : vector<10000x128xf32>
      %swap3A_116 = arith.constant 0 : index
      %swap3A_117 = arith.constant 0 : index
      %swap3A_118 = vector.load %arg9[%swap3A_116, %swap3A_117] : memref<10000x128xf32, #tpu.memory_space<vmem>>, vector<10000x128xf32>
      tpu.vector_store %arg9[%swap3A_116, %swap3A_117], %add3A_115 {strides = array<i32>} : memref<10000x128xf32, #tpu.memory_space<vmem>>, vector<10000x128xf32>,
    } else {
    }
    return
  }
  func.func @transform_0(%arg0: i32) -> (i32, i32) {
    %c0_i32 = arith.constant 0 : i32
    %c0_i32_0 = arith.constant 0 : i32
    return %arg0, %c0_i32 : i32, i32
  }
  func.func @transform_1(%arg0: i32) -> (i32, i32, i32) {
    %c0_i32 = arith.constant 0 : i32
    %c0_i32_0 = arith.constant 0 : i32
    %c0_i32_1 = arith.constant 0 : i32
    return %arg0, %c0_i32, %c0_i32_0 : i32, i32, i32
  }
  func.func @transform_2(%arg0: i32) -> (i32, i32, i32) {
    %c0_i32 = arith.constant 0 : i32
    %c0_i32_0 = arith.constant 0 : i32
    %c0_i32_1 = arith.constant 0 : i32
    return %arg0, %c0_i32, %c0_i32_0 : i32, i32, i32
  }
  func.func @transform_3(%arg0: i32) -> (i32, i32) {
    %c0_i32 = arith.constant 0 : i32
    %c0_i32_0 = arith.constant 0 : i32
    %c0_i32_1 = arith.constant 0 : i32
    return %c0_i32, %c0_i32_0 : i32, i32
  }
  func.func @transform_4(%arg0: i32) -> (i32, i32) {
    %c0_i32 = arith.constant 0 : i32
    %c0_i32_0 = arith.constant 0 : i32
    %c0_i32_1 = arith.constant 0 : i32
    return %c0_i32, %c0_i32_0 : i32, i32
  }
  func.func @transform_5(%arg0: i32) -> (i32, i32) {
    %c0_i32 = arith.constant 0 : i32
    %c0_i32_0 = arith.constant 0 : i32
    %c0_i32_1 = arith.constant 0 : i32
    return %c0_i32, %c0_i32_0 : i32, i32
  }
  func.func @transform_6(%arg0: i32) -> (i32, i32) {
    %c0_i32 = arith.constant 0 : i32
    %c0_i32_0 = arith.constant 0 : i32
    %c0_i32_1 = arith.constant 0 : i32
    return %c0_i32, %c0_i32_0 : i32, i32
  }
  func.func @transform_7(%arg0: i32) -> (i32, i32) {
    %c0_i32 = arith.constant 0 : i32
    %c0_i32_0 = arith.constant 0 : i32
    %c0_i32_1 = arith.constant 0 : i32
    return %c0_i32, %c0_i32_0 : i32, i32
  }
  func.func @transform_8(%arg0: i32) -> (i32, i32) {
    %c0_i32 = arith.constant 0 : i32
    %c0_i32_0 = arith.constant 0 : i32
    %c0_i32_1 = arith.constant 0 : i32
    return %c0_i32, %c0_i32_0 : i32, i32
  }
  func.func @transform_9(%arg0: i32) -> (i32, i32, i32) {
    %c0_i32 = arith.constant 0 : i32
    %c0_i32_0 = arith.constant 0 : i32
    %c0_i32_1 = arith.constant 0 : i32
    return %arg0, %c0_i32, %c0_i32_0 : i32, i32, i32
  }
}

</mosaic_0001>

<sc_bundles>
// kernel: kernel.4.cloned.1.call-start
scs
__scs_entry_jumppad:
0x0: {  	(pc) =	sbr.rel $0x88, $3  }
0x1: {  	(tag) =	ssettag $0x0;
	lr =	simm.s32 $0x1  }
0x2: {  	[smem:$0x3F99] =	sst lr;
	_ =	strace $0xD0000000  }
0x3: {  	_ = 	snop  }
0x4: {  	_ = 	snop  }
0x5: {  	_ = 	snop  }
0x6: {  	_ = 	snop  }
0x7: {  	_ = 	snop  }
__scs_overlays_trampoline_lowered:
0x8: {  	[smem:$0x3FA8] =	sst s0  }
0x9: {  	[smem:$0x3FA9] =	sst s1  }
0xa: {  	[smem:$0x3FAA] =	sst s2  }
0xb: {  	[smem:$0x3FAB] =	sst s3  }
0xc: {  	[smem:$0x3FAC] =	sst s4  }
0xd: {  	[smem:$0x3FAD] =	sst s5  }
0xe: {  	[smem:$0x3FAE] =	sst s6  }
0xf: {  	[smem:$0x3FAF] =	sst s7  }
0x10: {  	[smem:$0x3FB0] =	sst s8  }
0x11: {  	[smem:$0x3FB1] =	sst s9;
	s0 =	simm.s32 @!p0 $0x0  }
0x12: {  	s1 =	sld [smem:$0x3F97];
	s0 =	simm.s32 @p0 $0x1  }
0x13: {  	[smem:$0x3FB2] =	sst s0;
	s0 =	simm.s32 @!p1 $0x0  }
0x14: {  	s2 =	sld [smem:$0x3F96];
	s0 =	simm.s32 @p1 $0x1  }
0x15: {  	[smem:$0x3FB3] =	sst s0;
	s0 =	simm.s32 @!p2 $0x0  }
0x16: {  	s3 =	sld [smem:$0x3FDB];
	s0 =	simm.s32 @p2 $0x1  }
0x17: {  	s4 =	simm.s32 $0x1BF5;
	[smem:$0x3FB5] =	sst s0  }
0x18: {  	s0 =	sld [smem:$0x3F98];
	_ =	swait.ge [sflag:s4], $0x0  }
0x19: {  	s7 =	sld [smem:$0x3F99]  }
0x1a: {  	s8 =	sadd.s32 $0xFFFFE003, lr  }
0x1b: {  	s9 =	sadd.s32 $0xFFFFFEF7, lr;
	s5 =	simm.s32 $0xFFFFFFFF;
	p2 =	slt.u32 s8, $0xFFFFF086  }
0x1c: {  	p1 =	slt.u32 s9, $0xF7A;
	s5 =	simm.s32 @!p2 $0x0  }
0x1d: {  	s5 =	simm.s32 @p1 $0x1;
	p0 =	seq.s32 s7, s2  }
0x1e: {  	s7 =	smul.u32 @!p0 $0xF7A, s2;
	p2 =	seq.s32 @!p0 s5, $0x0  }
0x1f: {  	s9 =	smul.u32 $0xF7A, s1;
	s8 =	simm.s32 @!p0 $0x1BF5;
	p2 =	por !p2, p0  }
0x20: {  	[sflag:s8] =	ssyncset.s32 @!p0 $0xFFFFF086;
	s6 =	sadd.s32 @!p0 s3, s7;
	s7 =	simm.s32 @!p0 $0x108  }
0x21: {  	s3 =	sadd.s32 s3, s9;
	s6 =	sadd.s32 @!p0 $0x88, s6;
	s7 =	simm.s32 @p2 $0x1082  }
0x22: {  	[simem:s7], [sflag:s8] =	dma.local @!p0 [hbm:s6], $0xF7A  }
0x23: {  	s9 =	sor.u32 $0xD0000000, s2;
	s6 =	simm.s32 $0x108;
	_ =	swait.ge @!p0 [sflag:s8], $0x0  }
0x24: {  	s3 =	sadd.s32 $0x88, s3;
	s6 =	simm.s32 @!p1 $0x1082;
	[sflag:s4] =	ssyncset.s32 $0xFFFFF086  }
0x25: {  	[simem:s6], [sflag:s4] =	dma.local [hbm:s3], $0xF7A  }
0x26: {  	[smem:$0x3F99] =	sst s1;
	(tag) =	ssettag s2;
	_ =	strace s9  }
0x27: {  	s1 =	sld [smem:$0x3FA9]  }
0x28: {  	s2 =	sld [smem:$0x3FAA]  }
0x29: {  	s4 =	sld [smem:$0x3FAC]  }
0x2a: {  	p0 =	seq.s32 s5, $0x0;
	s5 =	sld [smem:$0x3FAD]  }
0x2b: {  	s6 =	sld [smem:$0x3FAE]  }
0x2c: {  	s7 =	sld [smem:$0x3FAF]  }
0x2d: {  	s3 =	simm.s32 $0x108;
	s8 =	sld [smem:$0x3FB0]  }
0x2e: {  	s3 =	simm.s32 @!p0 $0x1082;
	s9 =	sld [smem:$0x3FB1]  }
0x2f: {  	lr =	sadd.s32 s0, s3;
	s0 =	sld [smem:$0x3FA8]  }
0x30: {  	s3 =	sld [smem:$0x3FAB]  }
0x31: {  	[smem:$0x3FB4] =	sst s10  }
0x32: {  	s10 =	sld [smem:$0x3FB2];
	_ =	sdelay $0x3  }
0x33: {  	p0 =	seq.s32 s10, $0x1;
	s10 =	sld [smem:$0x3FB4];
	_ =	sdelay $0x3  }
0x34: {  	[smem:$0x3FB4] =	sst s10  }
0x35: {  	s10 =	sld [smem:$0x3FB3];
	_ =	sdelay $0x3  }
0x36: {  	p1 =	seq.s32 s10, $0x1;
	s10 =	sld [smem:$0x3FB4];
	_ =	sdelay $0x3  }
0x37: {  	[smem:$0x3FB4] =	sst s10  }
0x38: {  	s10 =	sld [smem:$0x3FB5]  }
0x39: {  	_ = 	snop;
	(pc) =	sbr.ind lr, $3  }
0x3a: {  	_ = 	snop  }
0x3b: {  	_ = 	snop  }
0x3c: {  	p2 =	seq.s32 s10, $0x1;
	s10 =	sld [smem:$0x3FB4]  }
0x3d: {  	_ =	shalt  }
0x3e: {  	_ =	shalt  }
0x3f: {  	_ =	shalt  }
0x40: {  	_ =	shalt  }
0x41: {  	_ =	shalt  }
0x42: {  	_ =	shalt  }
0x43: {  	_ =	shalt  }
0x44: {  	_ =	shalt  }
0x45: {  	_ =	shalt  }
0x46: {  	_ =	shalt  }
0x47: {  	_ =	shalt  }
0x48: {  	_ =	shalt  }
0x49: {  	_ =	shalt  }
0x4a: {  	_ =	shalt  }
0x4b: {  	_ =	shalt  }
0x4c: {  	_ =	shalt  }
0x4d: {  	_ =	shalt  }
0x4e: {  	_ =	shalt  }
0x4f: {  	_ =	shalt  }
0x50: {  	_ =	shalt  }
0x51: {  	_ =	shalt  }
0x52: {  	_ =	shalt  }
0x53: {  	_ =	shalt  }
0x54: {  	_ =	shalt  }
0x55: {  	_ =	shalt  }
0x56: {  	_ =	shalt  }
0x57: {  	_ =	shalt  }
0x58: {  	_ =	shalt  }
0x59: {  	_ =	shalt  }
0x5a: {  	_ =	shalt  }
0x5b: {  	_ =	shalt  }
0x5c: {  	_ =	shalt  }
0x5d: {  	_ =	shalt  }
0x5e: {  	_ =	shalt  }
0x5f: {  	_ =	shalt  }
0x60: {  	_ =	shalt  }
0x61: {  	_ =	shalt  }
0x62: {  	_ =	shalt  }
0x63: {  	_ =	shalt  }
0x64: {  	_ =	shalt  }
0x65: {  	_ =	shalt  }
0x66: {  	_ =	shalt  }
0x67: {  	_ =	shalt  }
0x68: {  	_ =	shalt  }
0x69: {  	_ =	shalt  }
0x6a: {  	_ =	shalt  }
0x6b: {  	_ =	shalt  }
0x6c: {  	_ =	shalt  }
0x6d: {  	_ =	shalt  }
0x6e: {  	_ =	shalt  }
0x6f: {  	_ =	shalt  }
0x70: {  	_ =	shalt  }
0x71: {  	_ =	shalt  }
0x72: {  	_ =	shalt  }
0x73: {  	_ =	shalt  }
0x74: {  	_ =	shalt  }
0x75: {  	_ =	shalt  }
0x76: {  	_ =	shalt  }
0x77: {  	_ =	shalt  }
0x78: {  	_ =	shalt  }
0x79: {  	_ =	shalt  }
0x7a: {  	_ =	shalt  }
0x7b: {  	_ =	shalt  }
0x7c: {  	_ =	shalt  }
0x7d: {  	_ =	shalt  }
0x7e: {  	_ =	shalt  }
0x7f: {  	_ =	shalt  }
0x80: {  	_ =	shalt  }
0x81: {  	_ =	shalt  }
0x82: {  	_ =	shalt  }
0x83: {  	_ =	shalt  }
0x84: {  	_ =	shalt  }
0x85: {  	_ =	shalt  }
0x86: {  	_ =	shalt  }
0x87: {  	_ =	shalt  }
.Lfunc_end0:
.L_simem_size_0:
called_computation_lowered:
.L_overlay_start_0:
0x88: {  	s2 =	sld [smem:$0x3FD9]  }
0x89: {  	s3 =	sld [smem:$0x3FFE];
	_ =	sdelay $0x1  }
0x8a: {  	s1 =	srdreg.scid  }
0x8b: {  	s0 =	sand.u32 $0x1, s1  }
0x8c: {  	s17 =	sshll.u32 s0, $0xA;
	s2 =	sadd.s32 s3, s2  }
0x8d: {  	s2 =	sadd.s32 s2, s17  }
0x8e: {  	[smem:$0x3FC0] =	sst s2  }
0x8f: {  	_ = 	snop  }
0x90: {  	s2 =	sld [smem:$0x3FD0];
	(tm) =	ssettm $0x1  }
0x91: {  	s18 =	sld [smem:$0x3FFB];
	_ =	sdelay $0x3  }
0x92: {  	_ =	strace s18  }
0x93: {  	s3 =	sld [smem:$0x3FFC];
	_ =	sdelay $0x3  }
0x94: {  	_ =	strace s3  }
0x95: {  	s3 =	sld [smem:$0x3FFD];
	_ =	sdelay $0x3  }
0x96: {  	_ =	strace s3  }
0x97: {  	_ =	strace $0x8FFFFFFF  }
0x98: {  	s19 =	sld [smem:$0x3FDB];
	_ =	sdelay $0x1  }
0x99: {  	s4 =	simm.s32 $_scs_section_size  }
0x9a: {  	s5 =	simm.s32 $_size__tile_overlayer_lowered;
	s6 =	simm.s32 $_tile_overlayer_lowered  }
0x9b: {  	s22 =	simm.s32 $0x1BFF;
	s21 =	sshll.u32 s6, $0x1;
	s3 =	sadd.s32 s4, s19  }
0x9c: {  	s7 =	simm.s32 $0x0;
	s20 =	sshll.u32 s5, $0x1;
	s5 =	sadd.s32 s21, s3  }
0x9d: {  	[timem:s7], [sflag:s22] =	dma.local [hbm:s5], s20  }
0x9e: {  	_ =	swait.ge [sflag:s22], s20  }
0x9f: {  	s4 =	ssub.s32 $0x0, s20;
	[sflag:s22] =	ssyncset.done $0x0  }
0xa0: {  	[sflag:s22] =	ssyncadd.s32 s4;
	_ =	sdelay $0x1  }
0xa1: {  	s23 =	simm.s32 $0x1B8B  }
0xa2: {  	_ =	swait.ge [sflag:s23], $0x1  }
0xa3: {  	[sflag:s23] =	ssyncset.done $0x0  }
0xa4: {  	s25 =	simm.s32 $0x1B8E;
	s24 =	sld [smem:$0x3FFE];
	[sflag:s23] =	ssyncadd.s32 $0xFFFFFFFF  }
0xa5: {  	s26 =	simm.s32 $execute0_lowered;
	[smem:$0x3FD2] =	sst s25  }
0xa6: {  	s5 =	sshll.u32 s26, $0x1;
	_ =	strace $0x80000046;
	[dreg:$0x1] =	wrdreg $0xFFFFFFFF  }
0xa7: {  	s28 =	simm.s32 $_size_execute0_lowered;
	s3 =	sadd.s32 s3, s5;
	[dreg:$0x0] =	wrdreg $0x0  }
0xa8: {  	s5 =	sshll.u32 s28, $0x1;
	[dreg:$0x2] =	wrdreg s3  }
0xa9: {  	[dreg:$0x3] =	wrdreg s5  }
0xaa: {  	[dreg:$0x4] =	wrdreg $0xC0  }
0xab: {  	_ =	task [dreg:s7], $0x5FFFF  }
0xac: {  	[dreg:$0x1] =	wrdreg $0xFFFFFFFF  }
0xad: {  	[dreg:$0x0] =	wrdreg $0x60  }
0xae: {  	[dreg:$0x2] =	wrdreg s24  }
0xaf: {  	[dreg:$0x3] =	wrdreg s2  }
0xb0: {  	[dreg:$0x4] =	wrdreg $0x9  }
0xb1: {  	_ =	task.clear_ibuf [dreg:s7], $0x5FFFF;
	_ =	strace $0x90000046  }
0xb2: {  	s29 =	simm.s32 $0x9;
	_ =	strace $0x80000048  }
0xb3: {  	_ =	swait.ge [sflag:s29], $0x1  }
0xb4: {  	[sflag:s29] =	ssyncadd.s32 $0xFFFFFFFF  }
0xb5: {  	_ =	strace $0x90000048  }
0xb6: {  	_ =	sfence  }
0xb7: {  	s30 =	sld [smem:$0x0];
	_ =	sdelay $0x2  }
0xb8: {  	s31 =	sshll.u32 s1, $0xD;
	s1 =	sshrl.u32 s1, $0x2  }
0xb9: {  	s3 =	sand.u32 $0x4000, s31;
	s1 =	sadd.s32 s1, s30  }
0xba: {  	s0 =	sor.u32 s3, s0;
	s1 =	sshll.u32 s1, $0x11  }
0xbb: {  	s0 =	sor.u32 s1, s0  }
0xbc: {  	s0 =	sadd.s32 $0x8F2B, s0  }
0xbd: {  	[sflag:s0] =	ssyncadd.remote.s32 $0x1  }
0xbe: {  	_ =	sfence.sel $0xFFFF  }
0xbf: {  	[dreg:$0x0] =	wrdreg $0xFFFFFFFF;
	(pc) =	sbr.abs _section_cstart, $3  }
0xc0: {  	[dreg:$0x1] =	wrdreg $0xFFFFFFFF  }
0xc1: {  	_ =	task.clear_ibuf [dreg:s7], $0x2FFFF;
	_ =	strace $0x9FFFFFFF  }
0xc2: {  	(tm) =	ssettm $0x7FFFFFFF  }
0xc3: {  	_ =	shalt  }
tec
execute0_lowered:
.L_overlay_start_1:
0x0: {  	(tag) =	ssettag $0x1  }
0x1: {  	s5 =	rddreg [dreg:$0x0]  }
0x2: {  	s2 =	rddreg [dreg:$0x1]  }
0x3: {  	s0 =	rddreg [dreg:$0x2];
	s4 =	srdreg.scid  }
0x4: {  	s1 =	stileid.u32;
	s3 =	simm.s32 $0x0;
	s14 =	simm.s32 $0x4200  }
0x5: {  	s15 =	simm.s32 $0x100;
	s16 =	simm.s32 $0x8200;
	s17 =	simm.s32 $0x180  }
0x6: {  	s18 =	simm.s32 $0xC200;
	s19 =	simm.s32 $0x1;
	s20 =	simm.s32 $0x3  }
0x7: {  	s21 =	simm.s32 $0x2;
	s22 =	simm.s32 $0x4;
	s23 =	simm.s32 $0x0  }
0x8: {  	s6 =	sand.u32 $0x1, s4;
	s28 =	sshll.u32 s1, $0x1;
	s12 =	smul.u32 $0x50, s1  }
0x9: {  	[smem:$0x7FF] =	sst s3;
	s7 =	sor.u32 s6, s28;
	s13 =	smul.u32 $0x28, s6  }
0xa: {  	s4 =	sadd.s32 $0x1200, s5;
	s8 =	ssub.s32 $0x2, s6;
	s9 =	smul.u32 $0x28, s7  }
0xb: {  	s5 =	sadd.s32 $0x28400, s5;
	s10 =	sshrl.u32 s8, $0x1;
	s11 =	smul.u32 $0x500, s7  }
0xc: {  	_ =	strace $0x80000047;
	s29 =	smul.u32 $0x28000, s7;
	s10 =	ssub.s32 s8, s10  }
0xd: {  	s31 =	sadd.s32 s13, s12;
	s12 =	simm.s32 $0x80;
	s13 =	simm.s32 $0x200  }
0xe: {  	s30 =	sshll.u32 s9, $0x5;
	s9 =	smin.u32 s9, $0x4BA;
	s6 =	sadd.s32 s5, s11  }
0xf: {  	s8 =	sadd.s32 s2, s29;
	s10 =	smax.u32 s10, $0x1;
	s9 =	sshll.u32 s9, $0xC  }
0x10: {  	[dreg:$0x3] =	wrdreg s31;
	s7 =	sadd.s32 s30, s5;
	s9 =	sadd.s32 s9, s2  }
0x11: {  	s11 =	simm.s32 $0x5;
	s7 =	sadd.s32 $0x20, s7;
	s9 =	sadd.s32 $0x27000, s9  }
.LBB2_1:
0x12: {  	[tilespmem:s3], [sflag:$0x5] =	stream.linear.gather [hbm4b:s6+s3], $0x100, $0x38;
	[tilespmem:$0x10200] =	vst v63  }
0x13: {  	_ =	swait.ge [sflag:s11], $0x100  }
0x14: {  	[sflag:s11] =	ssyncset.done $0x0  }
0x15: {  	[sflag:s11] =	ssyncadd.s32 $0xFFFFFF00  }
0x16: {  	[tilespmem:s13], [sflag:$0x1] =	stream.indirect.gather [hbm4b:s4+s12], $0x80, s3, s12, $0xb8;
	[tilespmem:$0x10200] =	vst v63  }
0x17: {  	_ = 	snop  }
0x18: {  	[tilespmem:s14], [sflag:$0x1] =	stream.indirect.gather [hbm4b:s4+s12], $0x80, s12, s12, $0xb8;
	[tilespmem:$0x10200] =	vst v63  }
0x19: {  	_ = 	snop  }
0x1a: {  	[tilespmem:s15], [sflag:$0x5] =	stream.linear.gather [hbm4b:s7+s3], $0x100, $0x38;
	[tilespmem:$0x10200] =	vst v63  }
0x1b: {  	_ =	swait.ge [sflag:s11], $0x100  }
0x1c: {  	[sflag:s11] =	ssyncset.done $0x0  }
0x1d: {  	[sflag:s11] =	ssyncadd.s32 $0xFFFFFF00  }
0x1e: {  	[tilespmem:s16], [sflag:$0x2] =	stream.indirect.gather [hbm4b:s4+s12], $0x80, s15, s12, $0xb8;
	[tilespmem:$0x10200] =	vst v63  }
0x1f: {  	_ = 	snop  }
0x20: {  	[tilespmem:s18], [sflag:$0x2] =	stream.indirect.gather [hbm4b:s4+s12], $0x80, s17, s12, $0xb8;
	[tilespmem:$0x10200] =	vst v63  }
0x21: {  	_ =	swait.ge [sflag:s19], $0x4000  }
0x22: {  	[sflag:s19] =	ssyncset.done $0x0  }
0x23: {  	[sflag:s19] =	ssyncadd.s32 $0xFFFFC000  }
0x24: {  	_ =	swait.ge [sflag:s19], $0x4000  }
0x25: {  	[sflag:s19] =	ssyncset.done $0x0  }
0x26: {  	[sflag:s19] =	ssyncadd.s32 $0xFFFFC000  }
0x27: {  	[hbm4b:s8+s3] =	stream.linear.scatter [tilespmem:s13], [sflag:$0x3], $0x8000, $0x38;
	[tilespmem:$0x10200] =	vst v63  }
0x28: {  	_ =	swait.ge [sflag:s20], $0x8000  }
0x29: {  	s24 =	rddreg [dreg:$0x3]  }
0x2a: {  	s24 =	sadd.s32 $0xFFFFFFDA, s24  }
0x2b: {  	s25 =	sadd.s32 $0x28, s24  }
0x2c: {  	p0 =	slt.s32 s25, $0x4E1  }
0x2d: {  	s25 =	simm.s32 @!p0 $0x4E1  }
0x2e: {  	[sflag:s20] =	ssyncset.done $0x0;
	s26 =	sshll.u32 s25, $0x5  }
0x2f: {  	[sflag:s20] =	ssyncadd.s32 $0xFFFF8000;
	s26 =	sadd.s32 s5, s26  }
0x30: {  	[tilespmem:s3], [sflag:$0x5] =	stream.linear.gather [hbm4b:s26+s3], $0x100, $0x38;
	[tilespmem:$0x10200] =	vst v63  }
0x31: {  	_ =	swait.ge [sflag:s11], $0x100  }
0x32: {  	[sflag:s11] =	ssyncset.done $0x0  }
0x33: {  	[sflag:s11] =	ssyncadd.s32 $0xFFFFFF00  }
0x34: {  	[tilespmem:s13], [sflag:$0x1] =	stream.indirect.gather [hbm4b:s4+s12], $0x80, s3, s12, $0xb8;
	[tilespmem:$0x10200] =	vst v63  }
0x35: {  	_ = 	snop  }
0x36: {  	[tilespmem:s14], [sflag:$0x1] =	stream.indirect.gather [hbm4b:s4+s12], $0x80, s12, s12, $0xb8;
	[tilespmem:$0x10200] =	vst v63  }
0x37: {  	_ =	swait.ge [sflag:s21], $0x4000  }
0x38: {  	s26 =	sadd.s32 $0x27, s24;
	[sflag:s21] =	ssyncset.done $0x0  }
0x39: {  	p0 =	slt.s32 s26, $0x4E1;
	[sflag:s21] =	ssyncadd.s32 $0xFFFFC000  }
0x3a: {  	s26 =	simm.s32 @!p0 $0x4E1;
	_ =	swait.ge [sflag:s21], $0x4000  }
0x3b: {  	s24 =	sadd.s32 $0x29, s24;
	s26 =	sshll.u32 s26, $0xC;
	[sflag:s21] =	ssyncset.done $0x0  }
0x3c: {  	p0 =	slt.s32 s24, $0x4E1;
	s26 =	sadd.s32 s2, s26;
	[sflag:s21] =	ssyncadd.s32 $0xFFFFC000  }
0x3d: {  	[hbm4b:s26+s3] =	stream.linear.scatter [tilespmem:s16], [sflag:$0x4], $0x8000, $0x38;
	[tilespmem:$0x10200] =	vst v63  }
0x3e: {  	s24 =	simm.s32 @!p0 $0x4E1;
	_ =	swait.ge [sflag:s22], $0x8000  }
0x3f: {  	s24 =	sshll.u32 s24, $0x5;
	[sflag:s22] =	ssyncset.done $0x0  }
0x40: {  	s24 =	sadd.s32 s5, s24;
	[sflag:s22] =	ssyncadd.s32 $0xFFFF8000  }
0x41: {  	[tilespmem:s15], [sflag:$0x5] =	stream.linear.gather [hbm4b:s24+s3], $0x100, $0x38;
	[tilespmem:$0x10200] =	vst v63  }
0x42: {  	_ =	swait.ge [sflag:s11], $0x100  }
0x43: {  	[sflag:s11] =	ssyncset.done $0x0  }
0x44: {  	[sflag:s11] =	ssyncadd.s32 $0xFFFFFF00  }
0x45: {  	[tilespmem:s16], [sflag:$0x2] =	stream.indirect.gather [hbm4b:s4+s12], $0x80, s15, s12, $0xb8;
	[tilespmem:$0x10200] =	vst v63  }
0x46: {  	_ = 	snop  }
0x47: {  	[tilespmem:s18], [sflag:$0x2] =	stream.indirect.gather [hbm4b:s4+s12], $0x80, s17, s12, $0xb8;
	[tilespmem:$0x10200] =	vst v63  }
0x48: {  	_ =	swait.ge [sflag:s19], $0x4000  }
0x49: {  	[sflag:s19] =	ssyncset.done $0x0  }
0x4a: {  	[sflag:s19] =	ssyncadd.s32 $0xFFFFC000  }
0x4b: {  	_ =	swait.ge [sflag:s19], $0x4000  }
0x4c: {  	s25 =	sshll.u32 s25, $0xC;
	[sflag:s19] =	ssyncset.done $0x0  }
0x4d: {  	s25 =	sadd.s32 s2, s25;
	s24 =	simm.s32 $0xFFFFFFDC;
	[sflag:s19] =	ssyncadd.s32 $0xFFFFC000  }
.LBB2_2:
0x4e: {  	[hbm4b:s25+s3] =	stream.linear.scatter [tilespmem:s13], [sflag:$0x3], $0x8000, $0x38;
	[tilespmem:$0x10200] =	vst v63  }
0x4f: {  	_ =	swait.ge [sflag:s20], $0x8000  }
0x50: {  	s31 =	smov.u32 s24;
	s26 =	rddreg [dreg:$0x3]  }
0x51: {  	s25 =	sadd.s32 s31, s26  }
0x52: {  	s26 =	sadd.s32 $0x28, s25  }
0x53: {  	p1 =	slt.s32 s26, $0x4E1  }
0x54: {  	s26 =	simm.s32 @!p1 $0x4E1  }
0x55: {  	[sflag:s20] =	ssyncset.done $0x0;
	s29 =	sshll.u32 s26, $0x5  }
0x56: {  	[sflag:s20] =	ssyncadd.s32 $0xFFFF8000;
	s29 =	sadd.s32 s5, s29  }
0x57: {  	[tilespmem:s3], [sflag:$0x5] =	stream.linear.gather [hbm4b:s29+s3], $0x100, $0x38;
	[tilespmem:$0x10200] =	vst v63  }
0x58: {  	_ =	swait.ge [sflag:s11], $0x100  }
0x59: {  	[sflag:s11] =	ssyncset.done $0x0  }
0x5a: {  	[sflag:s11] =	ssyncadd.s32 $0xFFFFFF00  }
0x5b: {  	[tilespmem:s13], [sflag:$0x1] =	stream.indirect.gather [hbm4b:s4+s12], $0x80, s3, s12, $0xb8;
	[tilespmem:$0x10200] =	vst v63  }
0x5c: {  	_ = 	snop  }
0x5d: {  	[tilespmem:s14], [sflag:$0x1] =	stream.indirect.gather [hbm4b:s4+s12], $0x80, s12, s12, $0xb8;
	[tilespmem:$0x10200] =	vst v63  }
0x5e: {  	_ =	swait.ge [sflag:s21], $0x4000  }
0x5f: {  	s28 =	sadd.s32 $0x27, s25;
	[sflag:s21] =	ssyncset.done $0x0  }
0x60: {  	p2 =	slt.s32 s28, $0x4E1;
	[sflag:s21] =	ssyncadd.s32 $0xFFFFC000  }
0x61: {  	s28 =	simm.s32 @!p2 $0x4E1;
	_ =	swait.ge [sflag:s21], $0x4000  }
0x62: {  	s25 =	sadd.s32 $0x29, s25;
	s28 =	sshll.u32 s28, $0xC;
	[sflag:s21] =	ssyncset.done $0x0  }
0x63: {  	p3 =	slt.s32 s25, $0x4E1;
	s28 =	sadd.s32 s2, s28;
	[sflag:s21] =	ssyncadd.s32 $0xFFFFC000  }
0x64: {  	[hbm4b:s28+s3] =	stream.linear.scatter [tilespmem:s16], [sflag:$0x4], $0x8000, $0x38;
	[tilespmem:$0x10200] =	vst v63  }
0x65: {  	s25 =	simm.s32 @!p3 $0x4E1;
	_ =	swait.ge [sflag:s22], $0x8000  }
0x66: {  	s25 =	sshll.u32 s25, $0x5;
	[sflag:s22] =	ssyncset.done $0x0  }
0x67: {  	s25 =	sadd.s32 s5, s25;
	[sflag:s22] =	ssyncadd.s32 $0xFFFF8000  }
0x68: {  	[tilespmem:s15], [sflag:$0x5] =	stream.linear.gather [hbm4b:s25+s3], $0x100, $0x38;
	[tilespmem:$0x10200] =	vst v63  }
0x69: {  	_ =	swait.ge [sflag:s11], $0x100  }
0x6a: {  	[sflag:s11] =	ssyncset.done $0x0  }
0x6b: {  	[sflag:s11] =	ssyncadd.s32 $0xFFFFFF00  }
0x6c: {  	[tilespmem:s16], [sflag:$0x2] =	stream.indirect.gather [hbm4b:s4+s12], $0x80, s15, s12, $0xb8;
	[tilespmem:$0x10200] =	vst v63  }
0x6d: {  	_ = 	snop  }
0x6e: {  	[tilespmem:s18], [sflag:$0x2] =	stream.indirect.gather [hbm4b:s4+s12], $0x80, s17, s12, $0xb8;
	[tilespmem:$0x10200] =	vst v63  }
0x6f: {  	p0 =	sne.s32 s24, $0xFFFFFFFE;
	_ =	swait.ge [sflag:s19], $0x4000  }
.Ltmp0:
0x70: {  	[sflag:s19] =	ssyncset.done $0x0;
	(pc) =	sbr.rel @p0 .LBB2_2-.Ltmp0, $4  }
0x71: {  	[sflag:s19] =	ssyncadd.s32 $0xFFFFC000  }
0x72: {  	_ =	swait.ge [sflag:s19], $0x4000  }
0x73: {  	s26 =	sshll.u32 s26, $0xC;
	[sflag:s19] =	ssyncset.done $0x0  }
0x74: {  	s24 =	sadd.s32 $0x2, s24;
	s25 =	sadd.s32 s2, s26;
	[sflag:s19] =	ssyncadd.s32 $0xFFFFC000  }
0x75: {  	[hbm4b:s25+s3] =	stream.linear.scatter [tilespmem:s13], [sflag:$0x3], $0x8000, $0x38;
	[tilespmem:$0x10200] =	vst v63  }
0x76: {  	_ =	swait.ge [sflag:s21], $0x4000  }
0x77: {  	[sflag:s21] =	ssyncset.done $0x0  }
0x78: {  	[sflag:s21] =	ssyncadd.s32 $0xFFFFC000  }
0x79: {  	_ =	swait.ge [sflag:s21], $0x4000  }
0x7a: {  	[sflag:s21] =	ssyncset.done $0x0  }
0x7b: {  	s23 =	sadd.s32 $0x1, s23;
	[sflag:s21] =	ssyncadd.s32 $0xFFFFC000  }
0x7c: {  	[hbm4b:s9+s3] =	stream.linear.scatter [tilespmem:s16], [sflag:$0x4], $0x8000, $0x38;
	[tilespmem:$0x10200] =	vst v63  }
0x7d: {  	p0 =	sne.s32 s23, s10;
	_ =	swait.ge [sflag:s20], $0x8000  }
.Ltmp1:
0x7e: {  	[sflag:s20] =	ssyncset.done $0x0;
	(pc) =	sbr.rel @p0 .LBB2_1-.Ltmp1, $4  }
0x7f: {  	[sflag:s20] =	ssyncadd.s32 $0xFFFF8000  }
0x80: {  	_ =	swait.ge [sflag:s22], $0x8000  }
0x81: {  	[sflag:s22] =	ssyncset.done $0x0  }
0x82: {  	[sflag:s22] =	ssyncadd.s32 $0xFFFF8000  }
0x83: {  	_ =	sfence.sel $0x180000  }
0x84: {  	[bflag:$0x0] =	sbarrier.arrive $0xFFFF  }
0x85: {  	p0 =	sne.s32 s1, $0x0;
	_ =	strace $0x90000047  }
0x86: {  	s0 =	sadd.s32 @!p0 $0x100000, s0;
	[bflag:$0x2] =	sbarrier.arrive $0xFFFF  }
0x87: {  	[sflag:s0] =	ssyncadd.tile.s32 @!p0 $0x1;
	_ =	shalt  }
.Lfunc_end2:
_tile_overlayer_lowered:
.L_overlay_start_2:
0x88: {  	(tag) =	ssettag $0x2  }
0x89: {  	s0 =	rddreg [dreg:$0x0];
	s2 =	stileid.u32  }
0x8a: {  	s1 =	rddreg [dreg:$0x1];
	p0 =	sne.s32 s2, $0x0  }
0x8b: {  	s3 =	rddreg [dreg:$0x2];
	[bflag:$0x3] =	sbarrier.arrive $0xFFFF;
	s2 =	simm.s32 @!p0 $0x1C05  }
0x8c: {  	[timem:s3], [sflag:s2] =	dma.local @!p0 [hbm:s0], s1  }
0x8d: {  	s0 =	simm.s32 @!p0 $0x5  }
0x8e: {  	_ =	swait.ge @!p0 [sflag:s0], s1  }
0x8f: {  	s1 =	ssub.s32 @!p0 $0x0, s1;
	[sflag:s0] =	ssyncset.done @!p0 $0x0  }
0x90: {  	[sflag:s0] =	ssyncadd.s32 @!p0 s1  }
0x91: {  	[bflag:$0x3] =	sbarrier.arrive $0xFFFF  }
0x92: {  	_ =	shalt  }

</sc_bundles>
